<compile_context>
chip_gen: v7x
topology: tpu7x:2x2x1
jax: 0.10.2.dev20260603
libtpu: 0.0.44.dev20260713+nightly
codegen_flags: <defaults>
</compile_context>

<pallas_src>
import jax
import jax.numpy as jnp
from jax import lax
from jax.experimental import pallas as pl
from jax.experimental.pallas import tpu as pltpu
from jax.experimental.pallas import tpu_sc as plsc
import functools

MARGIN = 0.5

NC = 2
NS = 16
L = 16
NW = NC * NS

B = 16384
D = 128
PER_W = B // NW
CH = 128
NCHUNK = PER_W // CH
DJ = D // L

_mesh = plsc.VectorSubcoreMesh(
    core_axis_name="c", subcore_axis_name="s", num_cores=NC, num_subcores=NS)


_SCRATCH = [
    pltpu.VMEM((CH, D), jnp.float32),
    pltpu.VMEM((CH, D), jnp.float32),
    pltpu.VMEM((CH, D), jnp.float32),
    pltpu.VMEM((CH, D), jnp.float32),
    pltpu.VMEM((CH, D), jnp.float32),
    pltpu.VMEM((CH, D), jnp.float32),
    pltpu.VMEM((NCHUNK, CH), jnp.int32),
    pltpu.VMEM((NCHUNK, CH), jnp.int32),
    pltpu.VMEM((NCHUNK, CH), jnp.int32),
    pltpu.VMEM((L,), jnp.float32),
    pltpu.SemaphoreType.DMA,
    pltpu.SemaphoreType.DMA,
]


_SCHED = ((0, 0, 16), (0, 16, 112), (1, 0, CH), (2, 0, CH), (3, 0, CH))


def _body(aidx_hbm, pidx_hbm, nidx_hbm, emb_hbm, out_hbm,
                arows0, prows0, nrows0, arows1, prows1, nrows1,
                aidx_v, pidx_v, nidx_v, accv, sem0, sem1):
    cid = lax.axis_index("c")
    sid = lax.axis_index("s")
    wid = sid * NC + cid

    lane = lax.iota(jnp.int32, L)
    zero = jnp.zeros((L,), jnp.float32)
    perms = [lane ^ sh for sh in (8, 4, 2, 1)]

    bufs = ((arows0, prows0, nrows0), (arows1, prows1, nrows1))
    sems = (sem0, sem1)

    def issue(k, b):
        r, col, n_ = _SCHED[k]
        a, p, n = bufs[b]
        return (
            pltpu.async_copy(
                emb_hbm.at[aidx_v.at[r, pl.ds(col, n_)]], a.at[pl.ds(0, n_)],
                sems[b]),
            pltpu.async_copy(
                emb_hbm.at[pidx_v.at[r, pl.ds(col, n_)]], p.at[pl.ds(0, n_)],
                sems[b]),
            pltpu.async_copy(
                emb_hbm.at[nidx_v.at[r, pl.ds(col, n_)]], n.at[pl.ds(0, n_)],
                sems[b]),
        )

    def make_trip_body(a_ref, p_ref, n_ref):
        def one_triplet(i):
            def dim_step(j, s):
                va = a_ref[i, pl.ds(j * L, L)]
                vp = p_ref[i, pl.ds(j * L, L)]
                vn = n_ref[i, pl.ds(j * L, L)]
                d1 = va - vp
                d2 = va - vn
                return s + (d1 * d1 - d2 * d2)

            s = lax.fori_loop(0, DJ, dim_step, zero)
            for p in perms:
                s = s + s.at[p].get(mode="promise_in_bounds")
            return jnp.maximum(s + MARGIN, 0.0)

        def trip_body(i, acc):
            return acc + one_triplet(i)

        return trip_body

    pltpu.sync_copy(aidx_hbm.at[wid], aidx_v)
    pltpu.sync_copy(pidx_hbm.at[wid], pidx_v)
    pltpu.sync_copy(nidx_hbm.at[wid], nidx_v)
    descs = {0: issue(0, 0), 1: issue(1, 1)}
    acc = zero
    for k in range(len(_SCHED)):
        b = k % 2
        for dsc in descs.pop(k):
            dsc.wait()
        acc = lax.fori_loop(0, _SCHED[k][2], make_trip_body(*bufs[b]), acc)
        if k + 2 < len(_SCHED):
            descs[k + 2] = issue(k + 2, b)

    accv[...] = acc * (1.0 / (L * B))
    pltpu.sync_copy(accv, out_hbm.at[wid])


_triplet_sc = pl.kernel(
    _body,
    out_type=jax.ShapeDtypeStruct((NW, L), jnp.float32),
    mesh=_mesh,
    compiler_params=pltpu.CompilerParams(needs_layout_passes=False),
    scratch_types=_SCRATCH,
)


def kernel(triplets, embeddings):
    t = triplets.astype(jnp.int32)
    aidx = t[:, 0].reshape(NW, NCHUNK, CH)
    pidx = t[:, 1].reshape(NW, NCHUNK, CH)
    nidx = t[:, 2].reshape(NW, NCHUNK, CH)
    out = _triplet_sc(aidx, pidx, nidx, embeddings)
    return jnp.sum(out)

# --- scband reference (transcript-rebuilt; emitter-appended) ---
"""Pipeline reference for scband-triplet-loss-43585328120331 (READ-ONLY COPY).

The authoritative reference and input builder live on the scoring server;
editing this copy changes nothing except your own understanding.
"""

import jax, jax.numpy as jnp
import numpy as np

MARGIN = 0.5

def setup_inputs(seed: int = 0) -> dict:
    key = jax.random.key(seed)
    k1, k2 = jax.random.split(key)
    triplets = jax.random.randint(k1, (16384, 3), 0, 100000, dtype=jnp.int64) if jax.config.jax_enable_x64 else jax.random.randint(k1, (16384, 3), 0, 100000, dtype=jnp.int32)
    embeddings = jax.random.normal(k2, (100000, 128), dtype=jnp.float32)
    return {"triplets": triplets, "embeddings": embeddings}

def reference(triplets, embeddings):
    triplets = triplets.astype(jnp.int32)
    anchor = jnp.take(embeddings, triplets[:, 0], axis=0)
    positive = jnp.take(embeddings, triplets[:, 1], axis=0)
    negative = jnp.take(embeddings, triplets[:, 2], axis=0)
    pos_d = jnp.sum((anchor - positive) ** 2, axis=1)
    neg_d = jnp.sum((anchor - negative) ** 2, axis=1)
    losses = jax.nn.relu(pos_d - neg_d + MARGIN)
    return jnp.mean(losses)

if __name__ == "__main__":
    import jax
    _d = setup_inputs()
    print(jax.jit(kernel)(*tuple(_d.values())))

</pallas_src>

<mosaic_0001>
#map = affine_map<(d0, d1) -> (0, 0, 0)>
#map1 = affine_map<(d0, d1) -> (0, 0)>
module attributes {stable_mosaic.version = 14 : i64} {
  func.func @_body(%arg0: i32, %arg1: i32, %arg2: memref<32x4x128xi32, #tpu.memory_space<hbm>>, %arg3: memref<32x4x128xi32, #tpu.memory_space<hbm>>, %arg4: memref<32x4x128xi32, #tpu.memory_space<hbm>>, %arg5: memref<100000x128xf32, #tpu.memory_space<hbm>>, %arg6: memref<32x16xf32, #tpu.memory_space<hbm>>, %arg7: memref<128x128xf32, #tpu.memory_space<vmem>>, %arg8: memref<128x128xf32, #tpu.memory_space<vmem>>, %arg9: memref<128x128xf32, #tpu.memory_space<vmem>>, %arg10: memref<128x128xf32, #tpu.memory_space<vmem>>, %arg11: memref<128x128xf32, #tpu.memory_space<vmem>>, %arg12: memref<128x128xf32, #tpu.memory_space<vmem>>, %arg13: memref<4x128xi32, #tpu.memory_space<vmem>>, %arg14: memref<4x128xi32, #tpu.memory_space<vmem>>, %arg15: memref<4x128xi32, #tpu.memory_space<vmem>>, %arg16: memref<16xf32, #tpu.memory_space<vmem>>, %arg17: memref<!tpu.dma_semaphore, #tpu.memory_space<semaphore_mem>>, %arg18: memref<!tpu.dma_semaphore, #tpu.memory_space<semaphore_mem>>) attributes {dimension_semantics = [#tpu.dimension_semantics<core_parallel>, #tpu.dimension_semantics<subcore_parallel>], iteration_bounds = array<i64: 2, 16>, scalar_prefetch = 0 : i64, scratch_operands = 12 : i64, tpu.core_type = #tpu.core_type<sc_vector_subcore>, window_params = [{transform_indices = #map}, {transform_indices = #map}, {transform_indices = #map}, {transform_indices = #map1}, {transform_indices = #map1}]} {
    %mul3A = arith.constant 2 : i32
    %mul3A_0 = arith.muli %arg1, %mul3A : i32
    %add3A = arith.addi %mul3A_0, %arg0 : i32
    %iota3A = tpu.iota {dimensions = array<i32: 0>} : vector<16xi32>
    %broadcast_in_dim3A = arith.constant 0.000000e+00 : f32
    %broadcast_in_dim3A_1 = vector.broadcast %broadcast_in_dim3A : f32 to vector<16xf32>
    %xor3A = arith.constant 8 : i32
    %xor3A_2 = vector.broadcast %xor3A : i32 to vector<16xi32>
    %xor3A_3 = arith.xori %iota3A, %xor3A_2 : vector<16xi32>
    %xor3A_4 = arith.constant 4 : i32
    %xor3A_5 = vector.broadcast %xor3A_4 : i32 to vector<16xi32>
    %xor3A_6 = arith.xori %iota3A, %xor3A_5 : vector<16xi32>
    %xor3A_7 = arith.constant 2 : i32
    %xor3A_8 = vector.broadcast %xor3A_7 : i32 to vector<16xi32>
    %xor3A_9 = arith.xori %iota3A, %xor3A_8 : vector<16xi32>
    %xor3A_10 = arith.constant 1 : i32
    %xor3A_11 = vector.broadcast %xor3A_10 : i32 to vector<16xi32>
    %xor3A_12 = arith.xori %iota3A, %xor3A_11 : vector<16xi32>
    "tpu.region"() ({
      %run_scoped3A = tpu.sem_alloc : memref<!tpu.dma_semaphore, #tpu.memory_space<semaphore_mem>>
      %dma_start3A_344 = arith.constant 0 : i32
      %dma_start3A_345 = arith.constant 0 : i32
      %dma_start3A_346 = tpu.memref_slice %arg2[%add3A, %dma_start3A_344, %dma_start3A_345] : memref<32x4x128xi32, #tpu.memory_space<hbm>> -> memref<1x4x128xi32, #tpu.memory_space<hbm>>
      %dma_start3A_347 = tpu.memref_squeeze %dma_start3A_346 : memref<1x4x128xi32, #tpu.memory_space<hbm>> -> memref<4x128xi32, #tpu.memory_space<hbm>>
      %dma_start3A_348 = arith.constant 0 : i32
      %dma_start3A_349 = arith.constant 0 : i32
      %dma_start3A_350 = tpu.memref_slice %arg2[%add3A, %dma_start3A_348, %dma_start3A_349] : memref<32x4x128xi32, #tpu.memory_space<hbm>> -> memref<1x4x128xi32, #tpu.memory_space<hbm>>
      %dma_start3A_351 = tpu.memref_squeeze %dma_start3A_350 : memref<1x4x128xi32, #tpu.memory_space<hbm>> -> memref<4x128xi32, #tpu.memory_space<hbm>>
      tpu.enqueue_dma source(%dma_start3A_351 : memref<4x128xi32, #tpu.memory_space<hbm>>) target(%arg13 : memref<4x128xi32, #tpu.memory_space<vmem>>) target_semaphore(%run_scoped3A : memref<!tpu.dma_semaphore, #tpu.memory_space<semaphore_mem>>)
      %dma_wait3A_352 = arith.constant 0 : i32
      %dma_wait3A_353 = arith.constant 0 : i32
      %dma_wait3A_354 = tpu.memref_slice %arg2[%add3A, %dma_wait3A_352, %dma_wait3A_353] : memref<32x4x128xi32, #tpu.memory_space<hbm>> -> memref<1x4x128xi32, #tpu.memory_space<hbm>>
      %dma_wait3A_355 = tpu.memref_squeeze %dma_wait3A_354 : memref<1x4x128xi32, #tpu.memory_space<hbm>> -> memref<4x128xi32, #tpu.memory_space<hbm>>
      %dma_wait3A_356 = arith.constant 0 : i32
      %dma_wait3A_357 = arith.constant 0 : i32
      %dma_wait3A_358 = tpu.memref_slice %arg2[%add3A, %dma_wait3A_356, %dma_wait3A_357] : memref<32x4x128xi32, #tpu.memory_space<hbm>> -> memref<1x4x128xi32, #tpu.memory_space<hbm>>
      %dma_wait3A_359 = tpu.memref_squeeze %dma_wait3A_358 : memref<1x4x128xi32, #tpu.memory_space<hbm>> -> memref<4x128xi32, #tpu.memory_space<hbm>>
      tpu.wait_dma2 semaphore(%run_scoped3A : memref<!tpu.dma_semaphore, #tpu.memory_space<semaphore_mem>>) src(%dma_wait3A_359 : memref<4x128xi32, #tpu.memory_space<hbm>>) dst(%arg13 : memref<4x128xi32, #tpu.memory_space<vmem>>)
      tpu.yield
    }) : () -> ()
    "tpu.region"() ({
      %run_scoped3A = tpu.sem_alloc : memref<!tpu.dma_semaphore, #tpu.memory_space<semaphore_mem>>
      %dma_start3A_344 = arith.constant 0 : i32
      %dma_start3A_345 = arith.constant 0 : i32
      %dma_start3A_346 = tpu.memref_slice %arg3[%add3A, %dma_start3A_344, %dma_start3A_345] : memref<32x4x128xi32, #tpu.memory_space<hbm>> -> memref<1x4x128xi32, #tpu.memory_space<hbm>>
      %dma_start3A_347 = tpu.memref_squeeze %dma_start3A_346 : memref<1x4x128xi32, #tpu.memory_space<hbm>> -> memref<4x128xi32, #tpu.memory_space<hbm>>
      %dma_start3A_348 = arith.constant 0 : i32
      %dma_start3A_349 = arith.constant 0 : i32
      %dma_start3A_350 = tpu.memref_slice %arg3[%add3A, %dma_start3A_348, %dma_start3A_349] : memref<32x4x128xi32, #tpu.memory_space<hbm>> -> memref<1x4x128xi32, #tpu.memory_space<hbm>>
      %dma_start3A_351 = tpu.memref_squeeze %dma_start3A_350 : memref<1x4x128xi32, #tpu.memory_space<hbm>> -> memref<4x128xi32, #tpu.memory_space<hbm>>
      tpu.enqueue_dma source(%dma_start3A_351 : memref<4x128xi32, #tpu.memory_space<hbm>>) target(%arg14 : memref<4x128xi32, #tpu.memory_space<vmem>>) target_semaphore(%run_scoped3A : memref<!tpu.dma_semaphore, #tpu.memory_space<semaphore_mem>>)
      %dma_wait3A_352 = arith.constant 0 : i32
      %dma_wait3A_353 = arith.constant 0 : i32
      %dma_wait3A_354 = tpu.memref_slice %arg3[%add3A, %dma_wait3A_352, %dma_wait3A_353] : memref<32x4x128xi32, #tpu.memory_space<hbm>> -> memref<1x4x128xi32, #tpu.memory_space<hbm>>
      %dma_wait3A_355 = tpu.memref_squeeze %dma_wait3A_354 : memref<1x4x128xi32, #tpu.memory_space<hbm>> -> memref<4x128xi32, #tpu.memory_space<hbm>>
      %dma_wait3A_356 = arith.constant 0 : i32
      %dma_wait3A_357 = arith.constant 0 : i32
      %dma_wait3A_358 = tpu.memref_slice %arg3[%add3A, %dma_wait3A_356, %dma_wait3A_357] : memref<32x4x128xi32, #tpu.memory_space<hbm>> -> memref<1x4x128xi32, #tpu.memory_space<hbm>>
      %dma_wait3A_359 = tpu.memref_squeeze %dma_wait3A_358 : memref<1x4x128xi32, #tpu.memory_space<hbm>> -> memref<4x128xi32, #tpu.memory_space<hbm>>
      tpu.wait_dma2 semaphore(%run_scoped3A : memref<!tpu.dma_semaphore, #tpu.memory_space<semaphore_mem>>) src(%dma_wait3A_359 : memref<4x128xi32, #tpu.memory_space<hbm>>) dst(%arg14 : memref<4x128xi32, #tpu.memory_space<vmem>>)
      tpu.yield
    }) : () -> ()
    "tpu.region"() ({
      %run_scoped3A = tpu.sem_alloc : memref<!tpu.dma_semaphore, #tpu.memory_space<semaphore_mem>>
      %dma_start3A_344 = arith.constant 0 : i32
      %dma_start3A_345 = arith.constant 0 : i32
      %dma_start3A_346 = tpu.memref_slice %arg4[%add3A, %dma_start3A_344, %dma_start3A_345] : memref<32x4x128xi32, #tpu.memory_space<hbm>> -> memref<1x4x128xi32, #tpu.memory_space<hbm>>
      %dma_start3A_347 = tpu.memref_squeeze %dma_start3A_346 : memref<1x4x128xi32, #tpu.memory_space<hbm>> -> memref<4x128xi32, #tpu.memory_space<hbm>>
      %dma_start3A_348 = arith.constant 0 : i32
      %dma_start3A_349 = arith.constant 0 : i32
      %dma_start3A_350 = tpu.memref_slice %arg4[%add3A, %dma_start3A_348, %dma_start3A_349] : memref<32x4x128xi32, #tpu.memory_space<hbm>> -> memref<1x4x128xi32, #tpu.memory_space<hbm>>
      %dma_start3A_351 = tpu.memref_squeeze %dma_start3A_350 : memref<1x4x128xi32, #tpu.memory_space<hbm>> -> memref<4x128xi32, #tpu.memory_space<hbm>>
      tpu.enqueue_dma source(%dma_start3A_351 : memref<4x128xi32, #tpu.memory_space<hbm>>) target(%arg15 : memref<4x128xi32, #tpu.memory_space<vmem>>) target_semaphore(%run_scoped3A : memref<!tpu.dma_semaphore, #tpu.memory_space<semaphore_mem>>)
      %dma_wait3A_352 = arith.constant 0 : i32
      %dma_wait3A_353 = arith.constant 0 : i32
      %dma_wait3A_354 = tpu.memref_slice %arg4[%add3A, %dma_wait3A_352, %dma_wait3A_353] : memref<32x4x128xi32, #tpu.memory_space<hbm>> -> memref<1x4x128xi32, #tpu.memory_space<hbm>>
      %dma_wait3A_355 = tpu.memref_squeeze %dma_wait3A_354 : memref<1x4x128xi32, #tpu.memory_space<hbm>> -> memref<4x128xi32, #tpu.memory_space<hbm>>
      %dma_wait3A_356 = arith.constant 0 : i32
      %dma_wait3A_357 = arith.constant 0 : i32
      %dma_wait3A_358 = tpu.memref_slice %arg4[%add3A, %dma_wait3A_356, %dma_wait3A_357] : memref<32x4x128xi32, #tpu.memory_space<hbm>> -> memref<1x4x128xi32, #tpu.memory_space<hbm>>
      %dma_wait3A_359 = tpu.memref_squeeze %dma_wait3A_358 : memref<1x4x128xi32, #tpu.memory_space<hbm>> -> memref<4x128xi32, #tpu.memory_space<hbm>>
      tpu.wait_dma2 semaphore(%run_scoped3A : memref<!tpu.dma_semaphore, #tpu.memory_space<semaphore_mem>>) src(%dma_wait3A_359 : memref<4x128xi32, #tpu.memory_space<hbm>>) dst(%arg15 : memref<4x128xi32, #tpu.memory_space<vmem>>)
      tpu.yield
    }) : () -> ()
    %dma_start3A = arith.constant 0 : i32
    %dma_start3A_13 = arith.constant 0 : i32
    %dma_start3A_14 = arith.constant 0 : i32
    %dma_start3A_15 = tpu.memref_slice %arg7[%dma_start3A_13, %dma_start3A_14] : memref<128x128xf32, #tpu.memory_space<vmem>> -> memref<16x128xf32, #tpu.memory_space<vmem>>
    %dma_start3A_16 = arith.constant 0 : i32
    %dma_start3A_17 = tpu.memref_slice %arg13[%dma_start3A, %dma_start3A_16] : memref<4x128xi32, #tpu.memory_space<vmem>> -> memref<1x16xi32, #tpu.memory_space<vmem>>
    %dma_start3A_18 = tpu.memref_squeeze %dma_start3A_17 : memref<1x16xi32, #tpu.memory_space<vmem>> -> memref<16xi32, #tpu.memory_space<vmem>>
    %dma_start3A_19 = arith.constant 0 : i32
    %dma_start3A_20 = arith.constant 0 : i32
    %dma_start3A_21 = tpu.memref_slice %arg5[%dma_start3A_19, %dma_start3A_20] : memref<100000x128xf32, #tpu.memory_space<hbm>> -> memref<100000x128xf32, #tpu.memory_space<hbm>>
    tpu.enqueue_indirect_dma source(%dma_start3A_21 : memref<100000x128xf32, #tpu.memory_space<hbm>>) target(%dma_start3A_15 : memref<16x128xf32, #tpu.memory_space<vmem>>) offsets(%dma_start3A_18 : memref<16xi32, #tpu.memory_space<vmem>>) semaphore(%arg17 : memref<!tpu.dma_semaphore, #tpu.memory_space<semaphore_mem>>)
    %dma_start3A_22 = arith.constant 0 : i32
    %dma_start3A_23 = arith.constant 0 : i32
    %dma_start3A_24 = arith.constant 0 : i32
    %dma_start3A_25 = tpu.memref_slice %arg8[%dma_start3A_23, %dma_start3A_24] : memref<128x128xf32, #tpu.memory_space<vmem>> -> memref<16x128xf32, #tpu.memory_space<vmem>>
    %dma_start3A_26 = arith.constant 0 : i32
    %dma_start3A_27 = tpu.memref_slice %arg14[%dma_start3A_22, %dma_start3A_26] : memref<4x128xi32, #tpu.memory_space<vmem>> -> memref<1x16xi32, #tpu.memory_space<vmem>>
    %dma_start3A_28 = tpu.memref_squeeze %dma_start3A_27 : memref<1x16xi32, #tpu.memory_space<vmem>> -> memref<16xi32, #tpu.memory_space<vmem>>
    %dma_start3A_29 = arith.constant 0 : i32
    %dma_start3A_30 = arith.constant 0 : i32
    %dma_start3A_31 = tpu.memref_slice %arg5[%dma_start3A_29, %dma_start3A_30] : memref<100000x128xf32, #tpu.memory_space<hbm>> -> memref<100000x128xf32, #tpu.memory_space<hbm>>
    tpu.enqueue_indirect_dma source(%dma_start3A_31 : memref<100000x128xf32, #tpu.memory_space<hbm>>) target(%dma_start3A_25 : memref<16x128xf32, #tpu.memory_space<vmem>>) offsets(%dma_start3A_28 : memref<16xi32, #tpu.memory_space<vmem>>) semaphore(%arg17 : memref<!tpu.dma_semaphore, #tpu.memory_space<semaphore_mem>>)
    %dma_start3A_32 = arith.constant 0 : i32
    %dma_start3A_33 = arith.constant 0 : i32
    %dma_start3A_34 = arith.constant 0 : i32
    %dma_start3A_35 = tpu.memref_slice %arg9[%dma_start3A_33, %dma_start3A_34] : memref<128x128xf32, #tpu.memory_space<vmem>> -> memref<16x128xf32, #tpu.memory_space<vmem>>
    %dma_start3A_36 = arith.constant 0 : i32
    %dma_start3A_37 = tpu.memref_slice %arg15[%dma_start3A_32, %dma_start3A_36] : memref<4x128xi32, #tpu.memory_space<vmem>> -> memref<1x16xi32, #tpu.memory_space<vmem>>
    %dma_start3A_38 = tpu.memref_squeeze %dma_start3A_37 : memref<1x16xi32, #tpu.memory_space<vmem>> -> memref<16xi32, #tpu.memory_space<vmem>>
    %dma_start3A_39 = arith.constant 0 : i32
    %dma_start3A_40 = arith.constant 0 : i32
    %dma_start3A_41 = tpu.memref_slice %arg5[%dma_start3A_39, %dma_start3A_40] : memref<100000x128xf32, #tpu.memory_space<hbm>> -> memref<100000x128xf32, #tpu.memory_space<hbm>>
    tpu.enqueue_indirect_dma source(%dma_start3A_41 : memref<100000x128xf32, #tpu.memory_space<hbm>>) target(%dma_start3A_35 : memref<16x128xf32, #tpu.memory_space<vmem>>) offsets(%dma_start3A_38 : memref<16xi32, #tpu.memory_space<vmem>>) semaphore(%arg17 : memref<!tpu.dma_semaphore, #tpu.memory_space<semaphore_mem>>)
    %dma_start3A_42 = arith.constant 0 : i32
    %dma_start3A_43 = arith.constant 0 : i32
    %dma_start3A_44 = arith.constant 0 : i32
    %dma_start3A_45 = tpu.memref_slice %arg10[%dma_start3A_43, %dma_start3A_44] : memref<128x128xf32, #tpu.memory_space<vmem>> -> memref<112x128xf32, #tpu.memory_space<vmem>>
    %dma_start3A_46 = arith.constant 16 : i32
    %dma_start3A_47 = tpu.memref_slice %arg13[%dma_start3A_42, %dma_start3A_46] : memref<4x128xi32, #tpu.memory_space<vmem>> -> memref<1x112xi32, #tpu.memory_space<vmem>>
    %dma_start3A_48 = tpu.memref_squeeze %dma_start3A_47 : memref<1x112xi32, #tpu.memory_space<vmem>> -> memref<112xi32, #tpu.memory_space<vmem>>
    %dma_start3A_49 = arith.constant 0 : i32
    %dma_start3A_50 = arith.constant 0 : i32
    %dma_start3A_51 = tpu.memref_slice %arg5[%dma_start3A_49, %dma_start3A_50] : memref<100000x128xf32, #tpu.memory_space<hbm>> -> memref<100000x128xf32, #tpu.memory_space<hbm>>
    tpu.enqueue_indirect_dma source(%dma_start3A_51 : memref<100000x128xf32, #tpu.memory_space<hbm>>) target(%dma_start3A_45 : memref<112x128xf32, #tpu.memory_space<vmem>>) offsets(%dma_start3A_48 : memref<112xi32, #tpu.memory_space<vmem>>) semaphore(%arg18 : memref<!tpu.dma_semaphore, #tpu.memory_space<semaphore_mem>>)
    %dma_start3A_52 = arith.constant 0 : i32
    %dma_start3A_53 = arith.constant 0 : i32
    %dma_start3A_54 = arith.constant 0 : i32
    %dma_start3A_55 = tpu.memref_slice %arg11[%dma_start3A_53, %dma_start3A_54] : memref<128x128xf32, #tpu.memory_space<vmem>> -> memref<112x128xf32, #tpu.memory_space<vmem>>
    %dma_start3A_56 = arith.constant 16 : i32
    %dma_start3A_57 = tpu.memref_slice %arg14[%dma_start3A_52, %dma_start3A_56] : memref<4x128xi32, #tpu.memory_space<vmem>> -> memref<1x112xi32, #tpu.memory_space<vmem>>
    %dma_start3A_58 = tpu.memref_squeeze %dma_start3A_57 : memref<1x112xi32, #tpu.memory_space<vmem>> -> memref<112xi32, #tpu.memory_space<vmem>>
    %dma_start3A_59 = arith.constant 0 : i32
    %dma_start3A_60 = arith.constant 0 : i32
    %dma_start3A_61 = tpu.memref_slice %arg5[%dma_start3A_59, %dma_start3A_60] : memref<100000x128xf32, #tpu.memory_space<hbm>> -> memref<100000x128xf32, #tpu.memory_space<hbm>>
    tpu.enqueue_indirect_dma source(%dma_start3A_61 : memref<100000x128xf32, #tpu.memory_space<hbm>>) target(%dma_start3A_55 : memref<112x128xf32, #tpu.memory_space<vmem>>) offsets(%dma_start3A_58 : memref<112xi32, #tpu.memory_space<vmem>>) semaphore(%arg18 : memref<!tpu.dma_semaphore, #tpu.memory_space<semaphore_mem>>)
    %dma_start3A_62 = arith.constant 0 : i32
    %dma_start3A_63 = arith.constant 0 : i32
    %dma_start3A_64 = arith.constant 0 : i32
    %dma_start3A_65 = tpu.memref_slice %arg12[%dma_start3A_63, %dma_start3A_64] : memref<128x128xf32, #tpu.memory_space<vmem>> -> memref<112x128xf32, #tpu.memory_space<vmem>>
    %dma_start3A_66 = arith.constant 16 : i32
    %dma_start3A_67 = tpu.memref_slice %arg15[%dma_start3A_62, %dma_start3A_66] : memref<4x128xi32, #tpu.memory_space<vmem>> -> memref<1x112xi32, #tpu.memory_space<vmem>>
    %dma_start3A_68 = tpu.memref_squeeze %dma_start3A_67 : memref<1x112xi32, #tpu.memory_space<vmem>> -> memref<112xi32, #tpu.memory_space<vmem>>
    %dma_start3A_69 = arith.constant 0 : i32
    %dma_start3A_70 = arith.constant 0 : i32
    %dma_start3A_71 = tpu.memref_slice %arg5[%dma_start3A_69, %dma_start3A_70] : memref<100000x128xf32, #tpu.memory_space<hbm>> -> memref<100000x128xf32, #tpu.memory_space<hbm>>
    tpu.enqueue_indirect_dma source(%dma_start3A_71 : memref<100000x128xf32, #tpu.memory_space<hbm>>) target(%dma_start3A_65 : memref<112x128xf32, #tpu.memory_space<vmem>>) offsets(%dma_start3A_68 : memref<112xi32, #tpu.memory_space<vmem>>) semaphore(%arg18 : memref<!tpu.dma_semaphore, #tpu.memory_space<semaphore_mem>>)
    %dma_wait3A = arith.constant 0 : i32
    %dma_wait3A_72 = arith.constant 0 : i32
    %dma_wait3A_73 = arith.constant 0 : i32
    %dma_wait3A_74 = tpu.memref_slice %arg7[%dma_wait3A_72, %dma_wait3A_73] : memref<128x128xf32, #tpu.memory_space<vmem>> -> memref<16x128xf32, #tpu.memory_space<vmem>>
    %dma_wait3A_75 = arith.constant 0 : i32
    %dma_wait3A_76 = tpu.memref_slice %arg13[%dma_wait3A, %dma_wait3A_75] : memref<4x128xi32, #tpu.memory_space<vmem>> -> memref<1x16xi32, #tpu.memory_space<vmem>>
    %dma_wait3A_77 = tpu.memref_squeeze %dma_wait3A_76 : memref<1x16xi32, #tpu.memory_space<vmem>> -> memref<16xi32, #tpu.memory_space<vmem>>
    %dma_wait3A_78 = arith.constant 0 : i32
    %dma_wait3A_79 = arith.constant 0 : i32
    %dma_wait3A_80 = tpu.memref_slice %arg5[%dma_wait3A_78, %dma_wait3A_79] : memref<100000x128xf32, #tpu.memory_space<hbm>> -> memref<100000x128xf32, #tpu.memory_space<hbm>>
    tpu.wait_indirect_dma semaphore(%arg17 : memref<!tpu.dma_semaphore, #tpu.memory_space<semaphore_mem>>) src(%dma_wait3A_80 : memref<100000x128xf32, #tpu.memory_space<hbm>>) dst(%dma_wait3A_74 : memref<16x128xf32, #tpu.memory_space<vmem>>)
    %dma_wait3A_81 = arith.constant 0 : i32
    %dma_wait3A_82 = arith.constant 0 : i32
    %dma_wait3A_83 = arith.constant 0 : i32
    %dma_wait3A_84 = tpu.memref_slice %arg8[%dma_wait3A_82, %dma_wait3A_83] : memref<128x128xf32, #tpu.memory_space<vmem>> -> memref<16x128xf32, #tpu.memory_space<vmem>>
    %dma_wait3A_85 = arith.constant 0 : i32
    %dma_wait3A_86 = tpu.memref_slice %arg14[%dma_wait3A_81, %dma_wait3A_85] : memref<4x128xi32, #tpu.memory_space<vmem>> -> memref<1x16xi32, #tpu.memory_space<vmem>>
    %dma_wait3A_87 = tpu.memref_squeeze %dma_wait3A_86 : memref<1x16xi32, #tpu.memory_space<vmem>> -> memref<16xi32, #tpu.memory_space<vmem>>
    %dma_wait3A_88 = arith.constant 0 : i32
    %dma_wait3A_89 = arith.constant 0 : i32
    %dma_wait3A_90 = tpu.memref_slice %arg5[%dma_wait3A_88, %dma_wait3A_89] : memref<100000x128xf32, #tpu.memory_space<hbm>> -> memref<100000x128xf32, #tpu.memory_space<hbm>>
    tpu.wait_indirect_dma semaphore(%arg17 : memref<!tpu.dma_semaphore, #tpu.memory_space<semaphore_mem>>) src(%dma_wait3A_90 : memref<100000x128xf32, #tpu.memory_space<hbm>>) dst(%dma_wait3A_84 : memref<16x128xf32, #tpu.memory_space<vmem>>)
    %dma_wait3A_91 = arith.constant 0 : i32
    %dma_wait3A_92 = arith.constant 0 : i32
    %dma_wait3A_93 = arith.constant 0 : i32
    %dma_wait3A_94 = tpu.memref_slice %arg9[%dma_wait3A_92, %dma_wait3A_93] : memref<128x128xf32, #tpu.memory_space<vmem>> -> memref<16x128xf32, #tpu.memory_space<vmem>>
    %dma_wait3A_95 = arith.constant 0 : i32
    %dma_wait3A_96 = tpu.memref_slice %arg15[%dma_wait3A_91, %dma_wait3A_95] : memref<4x128xi32, #tpu.memory_space<vmem>> -> memref<1x16xi32, #tpu.memory_space<vmem>>
    %dma_wait3A_97 = tpu.memref_squeeze %dma_wait3A_96 : memref<1x16xi32, #tpu.memory_space<vmem>> -> memref<16xi32, #tpu.memory_space<vmem>>
    %dma_wait3A_98 = arith.constant 0 : i32
    %dma_wait3A_99 = arith.constant 0 : i32
    %dma_wait3A_100 = tpu.memref_slice %arg5[%dma_wait3A_98, %dma_wait3A_99] : memref<100000x128xf32, #tpu.memory_space<hbm>> -> memref<100000x128xf32, #tpu.memory_space<hbm>>
    tpu.wait_indirect_dma semaphore(%arg17 : memref<!tpu.dma_semaphore, #tpu.memory_space<semaphore_mem>>) src(%dma_wait3A_100 : memref<100000x128xf32, #tpu.memory_space<hbm>>) dst(%dma_wait3A_94 : memref<16x128xf32, #tpu.memory_space<vmem>>)
    %scan3A = arith.constant 0 : i32
    %scan3A_101 = arith.constant 16 : i32
    %scan3A_102 = arith.addi %scan3A, %scan3A_101 : i32
    %scan3A_103 = arith.constant 1 : i32
    %scan3A_104 = scf.for %scan3A_344 = %scan3A to %scan3A_102 step %scan3A_103 iter_args(%scan3A_345 = %broadcast_in_dim3A_1) -> (vector<16xf32>)  : i32 {
      %scan3A_346 = arith.constant 0 : i32
      %scan3A_347 = arith.constant 8 : i32
      %scan3A_348 = arith.addi %scan3A_346, %scan3A_347 : i32
      %scan3A_349 = arith.constant 1 : i32
      %scan3A_350 = scf.for %scan3A_399 = %scan3A_346 to %scan3A_348 step %scan3A_349 iter_args(%scan3A_400 = %broadcast_in_dim3A_1) -> (vector<16xf32>)  : i32 {
        %mul3A_401 = arith.constant 16 : i32
        %mul3A_402 = arith.muli %scan3A_399, %mul3A_401 : i32
        %get3A = arith.index_cast %scan3A_344 : i32 to index
        %get3A_403 = arith.index_cast %mul3A_402 : i32 to index
        %get3A_404 = tpu.vector_load %arg7[%get3A, %get3A_403] {strides = array<i32>} : memref<128x128xf32, #tpu.memory_space<vmem>>, vector<16xf32>,
        %mul3A_405 = arith.constant 16 : i32
        %mul3A_406 = arith.muli %scan3A_399, %mul3A_405 : i32
        %get3A_407 = arith.index_cast %scan3A_344 : i32 to index
        %get3A_408 = arith.index_cast %mul3A_406 : i32 to index
        %get3A_409 = tpu.vector_load %arg8[%get3A_407, %get3A_408] {strides = array<i32>} : memref<128x128xf32, #tpu.memory_space<vmem>>, vector<16xf32>,
        %mul3A_410 = arith.constant 16 : i32
        %mul3A_411 = arith.muli %scan3A_399, %mul3A_410 : i32
        %get3A_412 = arith.index_cast %scan3A_344 : i32 to index
        %get3A_413 = arith.index_cast %mul3A_411 : i32 to index
        %get3A_414 = tpu.vector_load %arg9[%get3A_412, %get3A_413] {strides = array<i32>} : memref<128x128xf32, #tpu.memory_space<vmem>>, vector<16xf32>,
        %sub3A = arith.subf %get3A_404, %get3A_409 : vector<16xf32>
        %sub3A_415 = arith.subf %get3A_404, %get3A_414 : vector<16xf32>
        %mul3A_416 = arith.mulf %sub3A, %sub3A : vector<16xf32>
        %mul3A_417 = arith.mulf %sub3A_415, %sub3A_415 : vector<16xf32>
        %sub3A_418 = arith.subf %mul3A_416, %mul3A_417 : vector<16xf32>
        %add3A_419 = arith.addf %scan3A_400, %sub3A_418 : vector<16xf32>
        scf.yield %add3A_419 : vector<16xf32>
      }
      %scan3A_351 = arith.constant 8 : i32
      %lt3A = arith.constant 0 : i32
      %lt3A_352 = vector.broadcast %lt3A : i32 to vector<16xi32>
      %lt3A_353 = arith.cmpi slt, %xor3A_3, %lt3A_352 : vector<16xi32>
      %add3A_354 = arith.constant 16 : i32
      %add3A_355 = vector.broadcast %add3A_354 : i32 to vector<16xi32>
      %add3A_356 = arith.addi %xor3A_3, %add3A_355 : vector<16xi32>
      %select_n3A = arith.select %lt3A_353, %add3A_356, %xor3A_3 : vector<16xi1>, vector<16xi32>
      %broadcast_in_dim3A_357 = vector.shape_cast %select_n3A : vector<16xi32> to vector<16x1xi32>
      %gather3A = vector.shape_cast %broadcast_in_dim3A_357 : vector<16x1xi32> to vector<16xi32>
      %gather3A_358 = tpu.dynamic_gather %scan3A_350[%gather3A] in [0] : vector<16xf32>, vector<16xi32> -> vector<16xf32>
      %add3A_359 = arith.addf %scan3A_350, %gather3A_358 : vector<16xf32>
      %lt3A_360 = arith.constant 0 : i32
      %lt3A_361 = vector.broadcast %lt3A_360 : i32 to vector<16xi32>
      %lt3A_362 = arith.cmpi slt, %xor3A_6, %lt3A_361 : vector<16xi32>
      %add3A_363 = arith.constant 16 : i32
      %add3A_364 = vector.broadcast %add3A_363 : i32 to vector<16xi32>
      %add3A_365 = arith.addi %xor3A_6, %add3A_364 : vector<16xi32>
      %select_n3A_366 = arith.select %lt3A_362, %add3A_365, %xor3A_6 : vector<16xi1>, vector<16xi32>
      %broadcast_in_dim3A_367 = vector.shape_cast %select_n3A_366 : vector<16xi32> to vector<16x1xi32>
      %gather3A_368 = vector.shape_cast %broadcast_in_dim3A_367 : vector<16x1xi32> to vector<16xi32>
      %gather3A_369 = tpu.dynamic_gather %add3A_359[%gather3A_368] in [0] : vector<16xf32>, vector<16xi32> -> vector<16xf32>
      %add3A_370 = arith.addf %add3A_359, %gather3A_369 : vector<16xf32>
      %lt3A_371 = arith.constant 0 : i32
      %lt3A_372 = vector.broadcast %lt3A_371 : i32 to vector<16xi32>
      %lt3A_373 = arith.cmpi slt, %xor3A_9, %lt3A_372 : vector<16xi32>
      %add3A_374 = arith.constant 16 : i32
      %add3A_375 = vector.broadcast %add3A_374 : i32 to vector<16xi32>
      %add3A_376 = arith.addi %xor3A_9, %add3A_375 : vector<16xi32>
      %select_n3A_377 = arith.select %lt3A_373, %add3A_376, %xor3A_9 : vector<16xi1>, vector<16xi32>
      %broadcast_in_dim3A_378 = vector.shape_cast %select_n3A_377 : vector<16xi32> to vector<16x1xi32>
      %gather3A_379 = vector.shape_cast %broadcast_in_dim3A_378 : vector<16x1xi32> to vector<16xi32>
      %gather3A_380 = tpu.dynamic_gather %add3A_370[%gather3A_379] in [0] : vector<16xf32>, vector<16xi32> -> vector<16xf32>
      %add3A_381 = arith.addf %add3A_370, %gather3A_380 : vector<16xf32>
      %lt3A_382 = arith.constant 0 : i32
      %lt3A_383 = vector.broadcast %lt3A_382 : i32 to vector<16xi32>
      %lt3A_384 = arith.cmpi slt, %xor3A_12, %lt3A_383 : vector<16xi32>
      %add3A_385 = arith.constant 16 : i32
      %add3A_386 = vector.broadcast %add3A_385 : i32 to vector<16xi32>
      %add3A_387 = arith.addi %xor3A_12, %add3A_386 : vector<16xi32>
      %select_n3A_388 = arith.select %lt3A_384, %add3A_387, %xor3A_12 : vector<16xi1>, vector<16xi32>
      %broadcast_in_dim3A_389 = vector.shape_cast %select_n3A_388 : vector<16xi32> to vector<16x1xi32>
      %gather3A_390 = vector.shape_cast %broadcast_in_dim3A_389 : vector<16x1xi32> to vector<16xi32>
      %gather3A_391 = tpu.dynamic_gather %add3A_381[%gather3A_390] in [0] : vector<16xf32>, vector<16xi32> -> vector<16xf32>
      %add3A_392 = arith.addf %add3A_381, %gather3A_391 : vector<16xf32>
      %add3A_393 = arith.constant 5.000000e-01 : f32
      %add3A_394 = vector.broadcast %add3A_393 : f32 to vector<16xf32>
      %add3A_395 = arith.addf %add3A_392, %add3A_394 : vector<16xf32>
      %max3A = arith.constant 0.000000e+00 : f32
      %max3A_396 = vector.broadcast %max3A : f32 to vector<16xf32>
      %max3A_397 = arith.maximumf %add3A_395, %max3A_396 : vector<16xf32>
      %add3A_398 = arith.addf %scan3A_345, %max3A_397 : vector<16xf32>
      scf.yield %add3A_398 : vector<16xf32>
    }
    %scan3A_105 = arith.constant 16 : i32
    %dma_start3A_106 = arith.constant 1 : i32
    %dma_start3A_107 = arith.constant 0 : i32
    %dma_start3A_108 = arith.constant 0 : i32
    %dma_start3A_109 = tpu.memref_slice %arg7[%dma_start3A_107, %dma_start3A_108] : memref<128x128xf32, #tpu.memory_space<vmem>> -> memref<128x128xf32, #tpu.memory_space<vmem>>
    %dma_start3A_110 = arith.constant 0 : i32
    %dma_start3A_111 = tpu.memref_slice %arg13[%dma_start3A_106, %dma_start3A_110] : memref<4x128xi32, #tpu.memory_space<vmem>> -> memref<1x128xi32, #tpu.memory_space<vmem>>
    %dma_start3A_112 = tpu.memref_squeeze %dma_start3A_111 : memref<1x128xi32, #tpu.memory_space<vmem>> -> memref<128xi32, #tpu.memory_space<vmem>>
    %dma_start3A_113 = arith.constant 0 : i32
    %dma_start3A_114 = arith.constant 0 : i32
    %dma_start3A_115 = tpu.memref_slice %arg5[%dma_start3A_113, %dma_start3A_114] : memref<100000x128xf32, #tpu.memory_space<hbm>> -> memref<100000x128xf32, #tpu.memory_space<hbm>>
    tpu.enqueue_indirect_dma source(%dma_start3A_115 : memref<100000x128xf32, #tpu.memory_space<hbm>>) target(%dma_start3A_109 : memref<128x128xf32, #tpu.memory_space<vmem>>) offsets(%dma_start3A_112 : memref<128xi32, #tpu.memory_space<vmem>>) semaphore(%arg17 : memref<!tpu.dma_semaphore, #tpu.memory_space<semaphore_mem>>)
    %dma_start3A_116 = arith.constant 1 : i32
    %dma_start3A_117 = arith.constant 0 : i32
    %dma_start3A_118 = arith.constant 0 : i32
    %dma_start3A_119 = tpu.memref_slice %arg8[%dma_start3A_117, %dma_start3A_118] : memref<128x128xf32, #tpu.memory_space<vmem>> -> memref<128x128xf32, #tpu.memory_space<vmem>>
    %dma_start3A_120 = arith.constant 0 : i32
    %dma_start3A_121 = tpu.memref_slice %arg14[%dma_start3A_116, %dma_start3A_120] : memref<4x128xi32, #tpu.memory_space<vmem>> -> memref<1x128xi32, #tpu.memory_space<vmem>>
    %dma_start3A_122 = tpu.memref_squeeze %dma_start3A_121 : memref<1x128xi32, #tpu.memory_space<vmem>> -> memref<128xi32, #tpu.memory_space<vmem>>
    %dma_start3A_123 = arith.constant 0 : i32
    %dma_start3A_124 = arith.constant 0 : i32
    %dma_start3A_125 = tpu.memref_slice %arg5[%dma_start3A_123, %dma_start3A_124] : memref<100000x128xf32, #tpu.memory_space<hbm>> -> memref<100000x128xf32, #tpu.memory_space<hbm>>
    tpu.enqueue_indirect_dma source(%dma_start3A_125 : memref<100000x128xf32, #tpu.memory_space<hbm>>) target(%dma_start3A_119 : memref<128x128xf32, #tpu.memory_space<vmem>>) offsets(%dma_start3A_122 : memref<128xi32, #tpu.memory_space<vmem>>) semaphore(%arg17 : memref<!tpu.dma_semaphore, #tpu.memory_space<semaphore_mem>>)
    %dma_start3A_126 = arith.constant 1 : i32
    %dma_start3A_127 = arith.constant 0 : i32
    %dma_start3A_128 = arith.constant 0 : i32
    %dma_start3A_129 = tpu.memref_slice %arg9[%dma_start3A_127, %dma_start3A_128] : memref<128x128xf32, #tpu.memory_space<vmem>> -> memref<128x128xf32, #tpu.memory_space<vmem>>
    %dma_start3A_130 = arith.constant 0 : i32
    %dma_start3A_131 = tpu.memref_slice %arg15[%dma_start3A_126, %dma_start3A_130] : memref<4x128xi32, #tpu.memory_space<vmem>> -> memref<1x128xi32, #tpu.memory_space<vmem>>
    %dma_start3A_132 = tpu.memref_squeeze %dma_start3A_131 : memref<1x128xi32, #tpu.memory_space<vmem>> -> memref<128xi32, #tpu.memory_space<vmem>>
    %dma_start3A_133 = arith.constant 0 : i32
    %dma_start3A_134 = arith.constant 0 : i32
    %dma_start3A_135 = tpu.memref_slice %arg5[%dma_start3A_133, %dma_start3A_134] : memref<100000x128xf32, #tpu.memory_space<hbm>> -> memref<100000x128xf32, #tpu.memory_space<hbm>>
    tpu.enqueue_indirect_dma source(%dma_start3A_135 : memref<100000x128xf32, #tpu.memory_space<hbm>>) target(%dma_start3A_129 : memref<128x128xf32, #tpu.memory_space<vmem>>) offsets(%dma_start3A_132 : memref<128xi32, #tpu.memory_space<vmem>>) semaphore(%arg17 : memref<!tpu.dma_semaphore, #tpu.memory_space<semaphore_mem>>)
    %dma_wait3A_136 = arith.constant 0 : i32
    %dma_wait3A_137 = arith.constant 0 : i32
    %dma_wait3A_138 = arith.constant 0 : i32
    %dma_wait3A_139 = tpu.memref_slice %arg10[%dma_wait3A_137, %dma_wait3A_138] : memref<128x128xf32, #tpu.memory_space<vmem>> -> memref<112x128xf32, #tpu.memory_space<vmem>>
    %dma_wait3A_140 = arith.constant 16 : i32
    %dma_wait3A_141 = tpu.memref_slice %arg13[%dma_wait3A_136, %dma_wait3A_140] : memref<4x128xi32, #tpu.memory_space<vmem>> -> memref<1x112xi32, #tpu.memory_space<vmem>>
    %dma_wait3A_142 = tpu.memref_squeeze %dma_wait3A_141 : memref<1x112xi32, #tpu.memory_space<vmem>> -> memref<112xi32, #tpu.memory_space<vmem>>
    %dma_wait3A_143 = arith.constant 0 : i32
    %dma_wait3A_144 = arith.constant 0 : i32
    %dma_wait3A_145 = tpu.memref_slice %arg5[%dma_wait3A_143, %dma_wait3A_144] : memref<100000x128xf32, #tpu.memory_space<hbm>> -> memref<100000x128xf32, #tpu.memory_space<hbm>>
    tpu.wait_indirect_dma semaphore(%arg18 : memref<!tpu.dma_semaphore, #tpu.memory_space<semaphore_mem>>) src(%dma_wait3A_145 : memref<100000x128xf32, #tpu.memory_space<hbm>>) dst(%dma_wait3A_139 : memref<112x128xf32, #tpu.memory_space<vmem>>)
    %dma_wait3A_146 = arith.constant 0 : i32
    %dma_wait3A_147 = arith.constant 0 : i32
    %dma_wait3A_148 = arith.constant 0 : i32
    %dma_wait3A_149 = tpu.memref_slice %arg11[%dma_wait3A_147, %dma_wait3A_148] : memref<128x128xf32, #tpu.memory_space<vmem>> -> memref<112x128xf32, #tpu.memory_space<vmem>>
    %dma_wait3A_150 = arith.constant 16 : i32
    %dma_wait3A_151 = tpu.memref_slice %arg14[%dma_wait3A_146, %dma_wait3A_150] : memref<4x128xi32, #tpu.memory_space<vmem>> -> memref<1x112xi32, #tpu.memory_space<vmem>>
    %dma_wait3A_152 = tpu.memref_squeeze %dma_wait3A_151 : memref<1x112xi32, #tpu.memory_space<vmem>> -> memref<112xi32, #tpu.memory_space<vmem>>
    %dma_wait3A_153 = arith.constant 0 : i32
    %dma_wait3A_154 = arith.constant 0 : i32
    %dma_wait3A_155 = tpu.memref_slice %arg5[%dma_wait3A_153, %dma_wait3A_154] : memref<100000x128xf32, #tpu.memory_space<hbm>> -> memref<100000x128xf32, #tpu.memory_space<hbm>>
    tpu.wait_indirect_dma semaphore(%arg18 : memref<!tpu.dma_semaphore, #tpu.memory_space<semaphore_mem>>) src(%dma_wait3A_155 : memref<100000x128xf32, #tpu.memory_space<hbm>>) dst(%dma_wait3A_149 : memref<112x128xf32, #tpu.memory_space<vmem>>)
    %dma_wait3A_156 = arith.constant 0 : i32
    %dma_wait3A_157 = arith.constant 0 : i32
    %dma_wait3A_158 = arith.constant 0 : i32
    %dma_wait3A_159 = tpu.memref_slice %arg12[%dma_wait3A_157, %dma_wait3A_158] : memref<128x128xf32, #tpu.memory_space<vmem>> -> memref<112x128xf32, #tpu.memory_space<vmem>>
    %dma_wait3A_160 = arith.constant 16 : i32
    %dma_wait3A_161 = tpu.memref_slice %arg15[%dma_wait3A_156, %dma_wait3A_160] : memref<4x128xi32, #tpu.memory_space<vmem>> -> memref<1x112xi32, #tpu.memory_space<vmem>>
    %dma_wait3A_162 = tpu.memref_squeeze %dma_wait3A_161 : memref<1x112xi32, #tpu.memory_space<vmem>> -> memref<112xi32, #tpu.memory_space<vmem>>
    %dma_wait3A_163 = arith.constant 0 : i32
    %dma_wait3A_164 = arith.constant 0 : i32
    %dma_wait3A_165 = tpu.memref_slice %arg5[%dma_wait3A_163, %dma_wait3A_164] : memref<100000x128xf32, #tpu.memory_space<hbm>> -> memref<100000x128xf32, #tpu.memory_space<hbm>>
    tpu.wait_indirect_dma semaphore(%arg18 : memref<!tpu.dma_semaphore, #tpu.memory_space<semaphore_mem>>) src(%dma_wait3A_165 : memref<100000x128xf32, #tpu.memory_space<hbm>>) dst(%dma_wait3A_159 : memref<112x128xf32, #tpu.memory_space<vmem>>)
    %scan3A_166 = arith.constant 0 : i32
    %scan3A_167 = arith.constant 112 : i32
    %scan3A_168 = arith.addi %scan3A_166, %scan3A_167 : i32
    %scan3A_169 = arith.constant 1 : i32
    %scan3A_170 = scf.for %scan3A_344 = %scan3A_166 to %scan3A_168 step %scan3A_169 iter_args(%scan3A_345 = %scan3A_104) -> (vector<16xf32>)  : i32 {
      %scan3A_346 = arith.constant 0 : i32
      %scan3A_347 = arith.constant 8 : i32
      %scan3A_348 = arith.addi %scan3A_346, %scan3A_347 : i32
      %scan3A_349 = arith.constant 1 : i32
      %scan3A_350 = scf.for %scan3A_399 = %scan3A_346 to %scan3A_348 step %scan3A_349 iter_args(%scan3A_400 = %broadcast_in_dim3A_1) -> (vector<16xf32>)  : i32 {
        %mul3A_401 = arith.constant 16 : i32
        %mul3A_402 = arith.muli %scan3A_399, %mul3A_401 : i32
        %get3A = arith.index_cast %scan3A_344 : i32 to index
        %get3A_403 = arith.index_cast %mul3A_402 : i32 to index
        %get3A_404 = tpu.vector_load %arg10[%get3A, %get3A_403] {strides = array<i32>} : memref<128x128xf32, #tpu.memory_space<vmem>>, vector<16xf32>,
        %mul3A_405 = arith.constant 16 : i32
        %mul3A_406 = arith.muli %scan3A_399, %mul3A_405 : i32
        %get3A_407 = arith.index_cast %scan3A_344 : i32 to index
        %get3A_408 = arith.index_cast %mul3A_406 : i32 to index
        %get3A_409 = tpu.vector_load %arg11[%get3A_407, %get3A_408] {strides = array<i32>} : memref<128x128xf32, #tpu.memory_space<vmem>>, vector<16xf32>,
        %mul3A_410 = arith.constant 16 : i32
        %mul3A_411 = arith.muli %scan3A_399, %mul3A_410 : i32
        %get3A_412 = arith.index_cast %scan3A_344 : i32 to index
        %get3A_413 = arith.index_cast %mul3A_411 : i32 to index
        %get3A_414 = tpu.vector_load %arg12[%get3A_412, %get3A_413] {strides = array<i32>} : memref<128x128xf32, #tpu.memory_space<vmem>>, vector<16xf32>,
        %sub3A = arith.subf %get3A_404, %get3A_409 : vector<16xf32>
        %sub3A_415 = arith.subf %get3A_404, %get3A_414 : vector<16xf32>
        %mul3A_416 = arith.mulf %sub3A, %sub3A : vector<16xf32>
        %mul3A_417 = arith.mulf %sub3A_415, %sub3A_415 : vector<16xf32>
        %sub3A_418 = arith.subf %mul3A_416, %mul3A_417 : vector<16xf32>
        %add3A_419 = arith.addf %scan3A_400, %sub3A_418 : vector<16xf32>
        scf.yield %add3A_419 : vector<16xf32>
      }
      %scan3A_351 = arith.constant 8 : i32
      %lt3A = arith.constant 0 : i32
      %lt3A_352 = vector.broadcast %lt3A : i32 to vector<16xi32>
      %lt3A_353 = arith.cmpi slt, %xor3A_3, %lt3A_352 : vector<16xi32>
      %add3A_354 = arith.constant 16 : i32
      %add3A_355 = vector.broadcast %add3A_354 : i32 to vector<16xi32>
      %add3A_356 = arith.addi %xor3A_3, %add3A_355 : vector<16xi32>
      %select_n3A = arith.select %lt3A_353, %add3A_356, %xor3A_3 : vector<16xi1>, vector<16xi32>
      %broadcast_in_dim3A_357 = vector.shape_cast %select_n3A : vector<16xi32> to vector<16x1xi32>
      %gather3A = vector.shape_cast %broadcast_in_dim3A_357 : vector<16x1xi32> to vector<16xi32>
      %gather3A_358 = tpu.dynamic_gather %scan3A_350[%gather3A] in [0] : vector<16xf32>, vector<16xi32> -> vector<16xf32>
      %add3A_359 = arith.addf %scan3A_350, %gather3A_358 : vector<16xf32>
      %lt3A_360 = arith.constant 0 : i32
      %lt3A_361 = vector.broadcast %lt3A_360 : i32 to vector<16xi32>
      %lt3A_362 = arith.cmpi slt, %xor3A_6, %lt3A_361 : vector<16xi32>
      %add3A_363 = arith.constant 16 : i32
      %add3A_364 = vector.broadcast %add3A_363 : i32 to vector<16xi32>
      %add3A_365 = arith.addi %xor3A_6, %add3A_364 : vector<16xi32>
      %select_n3A_366 = arith.select %lt3A_362, %add3A_365, %xor3A_6 : vector<16xi1>, vector<16xi32>
      %broadcast_in_dim3A_367 = vector.shape_cast %select_n3A_366 : vector<16xi32> to vector<16x1xi32>
      %gather3A_368 = vector.shape_cast %broadcast_in_dim3A_367 : vector<16x1xi32> to vector<16xi32>
      %gather3A_369 = tpu.dynamic_gather %add3A_359[%gather3A_368] in [0] : vector<16xf32>, vector<16xi32> -> vector<16xf32>
      %add3A_370 = arith.addf %add3A_359, %gather3A_369 : vector<16xf32>
      %lt3A_371 = arith.constant 0 : i32
      %lt3A_372 = vector.broadcast %lt3A_371 : i32 to vector<16xi32>
      %lt3A_373 = arith.cmpi slt, %xor3A_9, %lt3A_372 : vector<16xi32>
      %add3A_374 = arith.constant 16 : i32
      %add3A_375 = vector.broadcast %add3A_374 : i32 to vector<16xi32>
      %add3A_376 = arith.addi %xor3A_9, %add3A_375 : vector<16xi32>
      %select_n3A_377 = arith.select %lt3A_373, %add3A_376, %xor3A_9 : vector<16xi1>, vector<16xi32>
      %broadcast_in_dim3A_378 = vector.shape_cast %select_n3A_377 : vector<16xi32> to vector<16x1xi32>
      %gather3A_379 = vector.shape_cast %broadcast_in_dim3A_378 : vector<16x1xi32> to vector<16xi32>
      %gather3A_380 = tpu.dynamic_gather %add3A_370[%gather3A_379] in [0] : vector<16xf32>, vector<16xi32> -> vector<16xf32>
      %add3A_381 = arith.addf %add3A_370, %gather3A_380 : vector<16xf32>
      %lt3A_382 = arith.constant 0 : i32
      %lt3A_383 = vector.broadcast %lt3A_382 : i32 to vector<16xi32>
      %lt3A_384 = arith.cmpi slt, %xor3A_12, %lt3A_383 : vector<16xi32>
      %add3A_385 = arith.constant 16 : i32
      %add3A_386 = vector.broadcast %add3A_385 : i32 to vector<16xi32>
      %add3A_387 = arith.addi %xor3A_12, %add3A_386 : vector<16xi32>
      %select_n3A_388 = arith.select %lt3A_384, %add3A_387, %xor3A_12 : vector<16xi1>, vector<16xi32>
      %broadcast_in_dim3A_389 = vector.shape_cast %select_n3A_388 : vector<16xi32> to vector<16x1xi32>
      %gather3A_390 = vector.shape_cast %broadcast_in_dim3A_389 : vector<16x1xi32> to vector<16xi32>
      %gather3A_391 = tpu.dynamic_gather %add3A_381[%gather3A_390] in [0] : vector<16xf32>, vector<16xi32> -> vector<16xf32>
      %add3A_392 = arith.addf %add3A_381, %gather3A_391 : vector<16xf32>
      %add3A_393 = arith.constant 5.000000e-01 : f32
      %add3A_394 = vector.broadcast %add3A_393 : f32 to vector<16xf32>
      %add3A_395 = arith.addf %add3A_392, %add3A_394 : vector<16xf32>
      %max3A = arith.constant 0.000000e+00 : f32
      %max3A_396 = vector.broadcast %max3A : f32 to vector<16xf32>
      %max3A_397 = arith.maximumf %add3A_395, %max3A_396 : vector<16xf32>
      %add3A_398 = arith.addf %scan3A_345, %max3A_397 : vector<16xf32>
      scf.yield %add3A_398 : vector<16xf32>
    }
    %scan3A_171 = arith.constant 112 : i32
    %dma_start3A_172 = arith.constant 2 : i32
    %dma_start3A_173 = arith.constant 0 : i32
    %dma_start3A_174 = arith.constant 0 : i32
    %dma_start3A_175 = tpu.memref_slice %arg10[%dma_start3A_173, %dma_start3A_174] : memref<128x128xf32, #tpu.memory_space<vmem>> -> memref<128x128xf32, #tpu.memory_space<vmem>>
    %dma_start3A_176 = arith.constant 0 : i32
    %dma_start3A_177 = tpu.memref_slice %arg13[%dma_start3A_172, %dma_start3A_176] : memref<4x128xi32, #tpu.memory_space<vmem>> -> memref<1x128xi32, #tpu.memory_space<vmem>>
    %dma_start3A_178 = tpu.memref_squeeze %dma_start3A_177 : memref<1x128xi32, #tpu.memory_space<vmem>> -> memref<128xi32, #tpu.memory_space<vmem>>
    %dma_start3A_179 = arith.constant 0 : i32
    %dma_start3A_180 = arith.constant 0 : i32
    %dma_start3A_181 = tpu.memref_slice %arg5[%dma_start3A_179, %dma_start3A_180] : memref<100000x128xf32, #tpu.memory_space<hbm>> -> memref<100000x128xf32, #tpu.memory_space<hbm>>
    tpu.enqueue_indirect_dma source(%dma_start3A_181 : memref<100000x128xf32, #tpu.memory_space<hbm>>) target(%dma_start3A_175 : memref<128x128xf32, #tpu.memory_space<vmem>>) offsets(%dma_start3A_178 : memref<128xi32, #tpu.memory_space<vmem>>) semaphore(%arg18 : memref<!tpu.dma_semaphore, #tpu.memory_space<semaphore_mem>>)
    %dma_start3A_182 = arith.constant 2 : i32
    %dma_start3A_183 = arith.constant 0 : i32
    %dma_start3A_184 = arith.constant 0 : i32
    %dma_start3A_185 = tpu.memref_slice %arg11[%dma_start3A_183, %dma_start3A_184] : memref<128x128xf32, #tpu.memory_space<vmem>> -> memref<128x128xf32, #tpu.memory_space<vmem>>
    %dma_start3A_186 = arith.constant 0 : i32
    %dma_start3A_187 = tpu.memref_slice %arg14[%dma_start3A_182, %dma_start3A_186] : memref<4x128xi32, #tpu.memory_space<vmem>> -> memref<1x128xi32, #tpu.memory_space<vmem>>
    %dma_start3A_188 = tpu.memref_squeeze %dma_start3A_187 : memref<1x128xi32, #tpu.memory_space<vmem>> -> memref<128xi32, #tpu.memory_space<vmem>>
    %dma_start3A_189 = arith.constant 0 : i32
    %dma_start3A_190 = arith.constant 0 : i32
    %dma_start3A_191 = tpu.memref_slice %arg5[%dma_start3A_189, %dma_start3A_190] : memref<100000x128xf32, #tpu.memory_space<hbm>> -> memref<100000x128xf32, #tpu.memory_space<hbm>>
    tpu.enqueue_indirect_dma source(%dma_start3A_191 : memref<100000x128xf32, #tpu.memory_space<hbm>>) target(%dma_start3A_185 : memref<128x128xf32, #tpu.memory_space<vmem>>) offsets(%dma_start3A_188 : memref<128xi32, #tpu.memory_space<vmem>>) semaphore(%arg18 : memref<!tpu.dma_semaphore, #tpu.memory_space<semaphore_mem>>)
    %dma_start3A_192 = arith.constant 2 : i32
    %dma_start3A_193 = arith.constant 0 : i32
    %dma_start3A_194 = arith.constant 0 : i32
    %dma_start3A_195 = tpu.memref_slice %arg12[%dma_start3A_193, %dma_start3A_194] : memref<128x128xf32, #tpu.memory_space<vmem>> -> memref<128x128xf32, #tpu.memory_space<vmem>>
    %dma_start3A_196 = arith.constant 0 : i32
    %dma_start3A_197 = tpu.memref_slice %arg15[%dma_start3A_192, %dma_start3A_196] : memref<4x128xi32, #tpu.memory_space<vmem>> -> memref<1x128xi32, #tpu.memory_space<vmem>>
    %dma_start3A_198 = tpu.memref_squeeze %dma_start3A_197 : memref<1x128xi32, #tpu.memory_space<vmem>> -> memref<128xi32, #tpu.memory_space<vmem>>
    %dma_start3A_199 = arith.constant 0 : i32
    %dma_start3A_200 = arith.constant 0 : i32
    %dma_start3A_201 = tpu.memref_slice %arg5[%dma_start3A_199, %dma_start3A_200] : memref<100000x128xf32, #tpu.memory_space<hbm>> -> memref<100000x128xf32, #tpu.memory_space<hbm>>
    tpu.enqueue_indirect_dma source(%dma_start3A_201 : memref<100000x128xf32, #tpu.memory_space<hbm>>) target(%dma_start3A_195 : memref<128x128xf32, #tpu.memory_space<vmem>>) offsets(%dma_start3A_198 : memref<128xi32, #tpu.memory_space<vmem>>) semaphore(%arg18 : memref<!tpu.dma_semaphore, #tpu.memory_space<semaphore_mem>>)
    %dma_wait3A_202 = arith.constant 1 : i32
    %dma_wait3A_203 = arith.constant 0 : i32
    %dma_wait3A_204 = arith.constant 0 : i32
    %dma_wait3A_205 = tpu.memref_slice %arg7[%dma_wait3A_203, %dma_wait3A_204] : memref<128x128xf32, #tpu.memory_space<vmem>> -> memref<128x128xf32, #tpu.memory_space<vmem>>
    %dma_wait3A_206 = arith.constant 0 : i32
    %dma_wait3A_207 = tpu.memref_slice %arg13[%dma_wait3A_202, %dma_wait3A_206] : memref<4x128xi32, #tpu.memory_space<vmem>> -> memref<1x128xi32, #tpu.memory_space<vmem>>
    %dma_wait3A_208 = tpu.memref_squeeze %dma_wait3A_207 : memref<1x128xi32, #tpu.memory_space<vmem>> -> memref<128xi32, #tpu.memory_space<vmem>>
    %dma_wait3A_209 = arith.constant 0 : i32
    %dma_wait3A_210 = arith.constant 0 : i32
    %dma_wait3A_211 = tpu.memref_slice %arg5[%dma_wait3A_209, %dma_wait3A_210] : memref<100000x128xf32, #tpu.memory_space<hbm>> -> memref<100000x128xf32, #tpu.memory_space<hbm>>
    tpu.wait_indirect_dma semaphore(%arg17 : memref<!tpu.dma_semaphore, #tpu.memory_space<semaphore_mem>>) src(%dma_wait3A_211 : memref<100000x128xf32, #tpu.memory_space<hbm>>) dst(%dma_wait3A_205 : memref<128x128xf32, #tpu.memory_space<vmem>>)
    %dma_wait3A_212 = arith.constant 1 : i32
    %dma_wait3A_213 = arith.constant 0 : i32
    %dma_wait3A_214 = arith.constant 0 : i32
    %dma_wait3A_215 = tpu.memref_slice %arg8[%dma_wait3A_213, %dma_wait3A_214] : memref<128x128xf32, #tpu.memory_space<vmem>> -> memref<128x128xf32, #tpu.memory_space<vmem>>
    %dma_wait3A_216 = arith.constant 0 : i32
    %dma_wait3A_217 = tpu.memref_slice %arg14[%dma_wait3A_212, %dma_wait3A_216] : memref<4x128xi32, #tpu.memory_space<vmem>> -> memref<1x128xi32, #tpu.memory_space<vmem>>
    %dma_wait3A_218 = tpu.memref_squeeze %dma_wait3A_217 : memref<1x128xi32, #tpu.memory_space<vmem>> -> memref<128xi32, #tpu.memory_space<vmem>>
    %dma_wait3A_219 = arith.constant 0 : i32
    %dma_wait3A_220 = arith.constant 0 : i32
    %dma_wait3A_221 = tpu.memref_slice %arg5[%dma_wait3A_219, %dma_wait3A_220] : memref<100000x128xf32, #tpu.memory_space<hbm>> -> memref<100000x128xf32, #tpu.memory_space<hbm>>
    tpu.wait_indirect_dma semaphore(%arg17 : memref<!tpu.dma_semaphore, #tpu.memory_space<semaphore_mem>>) src(%dma_wait3A_221 : memref<100000x128xf32, #tpu.memory_space<hbm>>) dst(%dma_wait3A_215 : memref<128x128xf32, #tpu.memory_space<vmem>>)
    %dma_wait3A_222 = arith.constant 1 : i32
    %dma_wait3A_223 = arith.constant 0 : i32
    %dma_wait3A_224 = arith.constant 0 : i32
    %dma_wait3A_225 = tpu.memref_slice %arg9[%dma_wait3A_223, %dma_wait3A_224] : memref<128x128xf32, #tpu.memory_space<vmem>> -> memref<128x128xf32, #tpu.memory_space<vmem>>
    %dma_wait3A_226 = arith.constant 0 : i32
    %dma_wait3A_227 = tpu.memref_slice %arg15[%dma_wait3A_222, %dma_wait3A_226] : memref<4x128xi32, #tpu.memory_space<vmem>> -> memref<1x128xi32, #tpu.memory_space<vmem>>
    %dma_wait3A_228 = tpu.memref_squeeze %dma_wait3A_227 : memref<1x128xi32, #tpu.memory_space<vmem>> -> memref<128xi32, #tpu.memory_space<vmem>>
    %dma_wait3A_229 = arith.constant 0 : i32
    %dma_wait3A_230 = arith.constant 0 : i32
    %dma_wait3A_231 = tpu.memref_slice %arg5[%dma_wait3A_229, %dma_wait3A_230] : memref<100000x128xf32, #tpu.memory_space<hbm>> -> memref<100000x128xf32, #tpu.memory_space<hbm>>
    tpu.wait_indirect_dma semaphore(%arg17 : memref<!tpu.dma_semaphore, #tpu.memory_space<semaphore_mem>>) src(%dma_wait3A_231 : memref<100000x128xf32, #tpu.memory_space<hbm>>) dst(%dma_wait3A_225 : memref<128x128xf32, #tpu.memory_space<vmem>>)
    %scan3A_232 = arith.constant 0 : i32
    %scan3A_233 = arith.constant 128 : i32
    %scan3A_234 = arith.addi %scan3A_232, %scan3A_233 : i32
    %scan3A_235 = arith.constant 1 : i32
    %scan3A_236 = scf.for %scan3A_344 = %scan3A_232 to %scan3A_234 step %scan3A_235 iter_args(%scan3A_345 = %scan3A_170) -> (vector<16xf32>)  : i32 {
      %scan3A_346 = arith.constant 0 : i32
      %scan3A_347 = arith.constant 8 : i32
      %scan3A_348 = arith.addi %scan3A_346, %scan3A_347 : i32
      %scan3A_349 = arith.constant 1 : i32
      %scan3A_350 = scf.for %scan3A_399 = %scan3A_346 to %scan3A_348 step %scan3A_349 iter_args(%scan3A_400 = %broadcast_in_dim3A_1) -> (vector<16xf32>)  : i32 {
        %mul3A_401 = arith.constant 16 : i32
        %mul3A_402 = arith.muli %scan3A_399, %mul3A_401 : i32
        %get3A = arith.index_cast %scan3A_344 : i32 to index
        %get3A_403 = arith.index_cast %mul3A_402 : i32 to index
        %get3A_404 = tpu.vector_load %arg7[%get3A, %get3A_403] {strides = array<i32>} : memref<128x128xf32, #tpu.memory_space<vmem>>, vector<16xf32>,
        %mul3A_405 = arith.constant 16 : i32
        %mul3A_406 = arith.muli %scan3A_399, %mul3A_405 : i32
        %get3A_407 = arith.index_cast %scan3A_344 : i32 to index
        %get3A_408 = arith.index_cast %mul3A_406 : i32 to index
        %get3A_409 = tpu.vector_load %arg8[%get3A_407, %get3A_408] {strides = array<i32>} : memref<128x128xf32, #tpu.memory_space<vmem>>, vector<16xf32>,
        %mul3A_410 = arith.constant 16 : i32
        %mul3A_411 = arith.muli %scan3A_399, %mul3A_410 : i32
        %get3A_412 = arith.index_cast %scan3A_344 : i32 to index
        %get3A_413 = arith.index_cast %mul3A_411 : i32 to index
        %get3A_414 = tpu.vector_load %arg9[%get3A_412, %get3A_413] {strides = array<i32>} : memref<128x128xf32, #tpu.memory_space<vmem>>, vector<16xf32>,
        %sub3A = arith.subf %get3A_404, %get3A_409 : vector<16xf32>
        %sub3A_415 = arith.subf %get3A_404, %get3A_414 : vector<16xf32>
        %mul3A_416 = arith.mulf %sub3A, %sub3A : vector<16xf32>
        %mul3A_417 = arith.mulf %sub3A_415, %sub3A_415 : vector<16xf32>
        %sub3A_418 = arith.subf %mul3A_416, %mul3A_417 : vector<16xf32>
        %add3A_419 = arith.addf %scan3A_400, %sub3A_418 : vector<16xf32>
        scf.yield %add3A_419 : vector<16xf32>
      }
      %scan3A_351 = arith.constant 8 : i32
      %lt3A = arith.constant 0 : i32
      %lt3A_352 = vector.broadcast %lt3A : i32 to vector<16xi32>
      %lt3A_353 = arith.cmpi slt, %xor3A_3, %lt3A_352 : vector<16xi32>
      %add3A_354 = arith.constant 16 : i32
      %add3A_355 = vector.broadcast %add3A_354 : i32 to vector<16xi32>
      %add3A_356 = arith.addi %xor3A_3, %add3A_355 : vector<16xi32>
      %select_n3A = arith.select %lt3A_353, %add3A_356, %xor3A_3 : vector<16xi1>, vector<16xi32>
      %broadcast_in_dim3A_357 = vector.shape_cast %select_n3A : vector<16xi32> to vector<16x1xi32>
      %gather3A = vector.shape_cast %broadcast_in_dim3A_357 : vector<16x1xi32> to vector<16xi32>
      %gather3A_358 = tpu.dynamic_gather %scan3A_350[%gather3A] in [0] : vector<16xf32>, vector<16xi32> -> vector<16xf32>
      %add3A_359 = arith.addf %scan3A_350, %gather3A_358 : vector<16xf32>
      %lt3A_360 = arith.constant 0 : i32
      %lt3A_361 = vector.broadcast %lt3A_360 : i32 to vector<16xi32>
      %lt3A_362 = arith.cmpi slt, %xor3A_6, %lt3A_361 : vector<16xi32>
      %add3A_363 = arith.constant 16 : i32
      %add3A_364 = vector.broadcast %add3A_363 : i32 to vector<16xi32>
      %add3A_365 = arith.addi %xor3A_6, %add3A_364 : vector<16xi32>
      %select_n3A_366 = arith.select %lt3A_362, %add3A_365, %xor3A_6 : vector<16xi1>, vector<16xi32>
      %broadcast_in_dim3A_367 = vector.shape_cast %select_n3A_366 : vector<16xi32> to vector<16x1xi32>
      %gather3A_368 = vector.shape_cast %broadcast_in_dim3A_367 : vector<16x1xi32> to vector<16xi32>
      %gather3A_369 = tpu.dynamic_gather %add3A_359[%gather3A_368] in [0] : vector<16xf32>, vector<16xi32> -> vector<16xf32>
      %add3A_370 = arith.addf %add3A_359, %gather3A_369 : vector<16xf32>
      %lt3A_371 = arith.constant 0 : i32
      %lt3A_372 = vector.broadcast %lt3A_371 : i32 to vector<16xi32>
      %lt3A_373 = arith.cmpi slt, %xor3A_9, %lt3A_372 : vector<16xi32>
      %add3A_374 = arith.constant 16 : i32
      %add3A_375 = vector.broadcast %add3A_374 : i32 to vector<16xi32>
      %add3A_376 = arith.addi %xor3A_9, %add3A_375 : vector<16xi32>
      %select_n3A_377 = arith.select %lt3A_373, %add3A_376, %xor3A_9 : vector<16xi1>, vector<16xi32>
      %broadcast_in_dim3A_378 = vector.shape_cast %select_n3A_377 : vector<16xi32> to vector<16x1xi32>
      %gather3A_379 = vector.shape_cast %broadcast_in_dim3A_378 : vector<16x1xi32> to vector<16xi32>
      %gather3A_380 = tpu.dynamic_gather %add3A_370[%gather3A_379] in [0] : vector<16xf32>, vector<16xi32> -> vector<16xf32>
      %add3A_381 = arith.addf %add3A_370, %gather3A_380 : vector<16xf32>
      %lt3A_382 = arith.constant 0 : i32
      %lt3A_383 = vector.broadcast %lt3A_382 : i32 to vector<16xi32>
      %lt3A_384 = arith.cmpi slt, %xor3A_12, %lt3A_383 : vector<16xi32>
      %add3A_385 = arith.constant 16 : i32
      %add3A_386 = vector.broadcast %add3A_385 : i32 to vector<16xi32>
      %add3A_387 = arith.addi %xor3A_12, %add3A_386 : vector<16xi32>
      %select_n3A_388 = arith.select %lt3A_384, %add3A_387, %xor3A_12 : vector<16xi1>, vector<16xi32>
      %broadcast_in_dim3A_389 = vector.shape_cast %select_n3A_388 : vector<16xi32> to vector<16x1xi32>
      %gather3A_390 = vector.shape_cast %broadcast_in_dim3A_389 : vector<16x1xi32> to vector<16xi32>
      %gather3A_391 = tpu.dynamic_gather %add3A_381[%gather3A_390] in [0] : vector<16xf32>, vector<16xi32> -> vector<16xf32>
      %add3A_392 = arith.addf %add3A_381, %gather3A_391 : vector<16xf32>
      %add3A_393 = arith.constant 5.000000e-01 : f32
      %add3A_394 = vector.broadcast %add3A_393 : f32 to vector<16xf32>
      %add3A_395 = arith.addf %add3A_392, %add3A_394 : vector<16xf32>
      %max3A = arith.constant 0.000000e+00 : f32
      %max3A_396 = vector.broadcast %max3A : f32 to vector<16xf32>
      %max3A_397 = arith.maximumf %add3A_395, %max3A_396 : vector<16xf32>
      %add3A_398 = arith.addf %scan3A_345, %max3A_397 : vector<16xf32>
      scf.yield %add3A_398 : vector<16xf32>
    }
    %scan3A_237 = arith.constant 128 : i32
    %dma_start3A_238 = arith.constant 3 : i32
    %dma_start3A_239 = arith.constant 0 : i32
    %dma_start3A_240 = arith.constant 0 : i32
    %dma_start3A_241 = tpu.memref_slice %arg7[%dma_start3A_239, %dma_start3A_240] : memref<128x128xf32, #tpu.memory_space<vmem>> -> memref<128x128xf32, #tpu.memory_space<vmem>>
    %dma_start3A_242 = arith.constant 0 : i32
    %dma_start3A_243 = tpu.memref_slice %arg13[%dma_start3A_238, %dma_start3A_242] : memref<4x128xi32, #tpu.memory_space<vmem>> -> memref<1x128xi32, #tpu.memory_space<vmem>>
    %dma_start3A_244 = tpu.memref_squeeze %dma_start3A_243 : memref<1x128xi32, #tpu.memory_space<vmem>> -> memref<128xi32, #tpu.memory_space<vmem>>
    %dma_start3A_245 = arith.constant 0 : i32
    %dma_start3A_246 = arith.constant 0 : i32
    %dma_start3A_247 = tpu.memref_slice %arg5[%dma_start3A_245, %dma_start3A_246] : memref<100000x128xf32, #tpu.memory_space<hbm>> -> memref<100000x128xf32, #tpu.memory_space<hbm>>
    tpu.enqueue_indirect_dma source(%dma_start3A_247 : memref<100000x128xf32, #tpu.memory_space<hbm>>) target(%dma_start3A_241 : memref<128x128xf32, #tpu.memory_space<vmem>>) offsets(%dma_start3A_244 : memref<128xi32, #tpu.memory_space<vmem>>) semaphore(%arg17 : memref<!tpu.dma_semaphore, #tpu.memory_space<semaphore_mem>>)
    %dma_start3A_248 = arith.constant 3 : i32
    %dma_start3A_249 = arith.constant 0 : i32
    %dma_start3A_250 = arith.constant 0 : i32
    %dma_start3A_251 = tpu.memref_slice %arg8[%dma_start3A_249, %dma_start3A_250] : memref<128x128xf32, #tpu.memory_space<vmem>> -> memref<128x128xf32, #tpu.memory_space<vmem>>
    %dma_start3A_252 = arith.constant 0 : i32
    %dma_start3A_253 = tpu.memref_slice %arg14[%dma_start3A_248, %dma_start3A_252] : memref<4x128xi32, #tpu.memory_space<vmem>> -> memref<1x128xi32, #tpu.memory_space<vmem>>
    %dma_start3A_254 = tpu.memref_squeeze %dma_start3A_253 : memref<1x128xi32, #tpu.memory_space<vmem>> -> memref<128xi32, #tpu.memory_space<vmem>>
    %dma_start3A_255 = arith.constant 0 : i32
    %dma_start3A_256 = arith.constant 0 : i32
    %dma_start3A_257 = tpu.memref_slice %arg5[%dma_start3A_255, %dma_start3A_256] : memref<100000x128xf32, #tpu.memory_space<hbm>> -> memref<100000x128xf32, #tpu.memory_space<hbm>>
    tpu.enqueue_indirect_dma source(%dma_start3A_257 : memref<100000x128xf32, #tpu.memory_space<hbm>>) target(%dma_start3A_251 : memref<128x128xf32, #tpu.memory_space<vmem>>) offsets(%dma_start3A_254 : memref<128xi32, #tpu.memory_space<vmem>>) semaphore(%arg17 : memref<!tpu.dma_semaphore, #tpu.memory_space<semaphore_mem>>)
    %dma_start3A_258 = arith.constant 3 : i32
    %dma_start3A_259 = arith.constant 0 : i32
    %dma_start3A_260 = arith.constant 0 : i32
    %dma_start3A_261 = tpu.memref_slice %arg9[%dma_start3A_259, %dma_start3A_260] : memref<128x128xf32, #tpu.memory_space<vmem>> -> memref<128x128xf32, #tpu.memory_space<vmem>>
    %dma_start3A_262 = arith.constant 0 : i32
    %dma_start3A_263 = tpu.memref_slice %arg15[%dma_start3A_258, %dma_start3A_262] : memref<4x128xi32, #tpu.memory_space<vmem>> -> memref<1x128xi32, #tpu.memory_space<vmem>>
    %dma_start3A_264 = tpu.memref_squeeze %dma_start3A_263 : memref<1x128xi32, #tpu.memory_space<vmem>> -> memref<128xi32, #tpu.memory_space<vmem>>
    %dma_start3A_265 = arith.constant 0 : i32
    %dma_start3A_266 = arith.constant 0 : i32
    %dma_start3A_267 = tpu.memref_slice %arg5[%dma_start3A_265, %dma_start3A_266] : memref<100000x128xf32, #tpu.memory_space<hbm>> -> memref<100000x128xf32, #tpu.memory_space<hbm>>
    tpu.enqueue_indirect_dma source(%dma_start3A_267 : memref<100000x128xf32, #tpu.memory_space<hbm>>) target(%dma_start3A_261 : memref<128x128xf32, #tpu.memory_space<vmem>>) offsets(%dma_start3A_264 : memref<128xi32, #tpu.memory_space<vmem>>) semaphore(%arg17 : memref<!tpu.dma_semaphore, #tpu.memory_space<semaphore_mem>>)
    %dma_wait3A_268 = arith.constant 2 : i32
    %dma_wait3A_269 = arith.constant 0 : i32
    %dma_wait3A_270 = arith.constant 0 : i32
    %dma_wait3A_271 = tpu.memref_slice %arg10[%dma_wait3A_269, %dma_wait3A_270] : memref<128x128xf32, #tpu.memory_space<vmem>> -> memref<128x128xf32, #tpu.memory_space<vmem>>
    %dma_wait3A_272 = arith.constant 0 : i32
    %dma_wait3A_273 = tpu.memref_slice %arg13[%dma_wait3A_268, %dma_wait3A_272] : memref<4x128xi32, #tpu.memory_space<vmem>> -> memref<1x128xi32, #tpu.memory_space<vmem>>
    %dma_wait3A_274 = tpu.memref_squeeze %dma_wait3A_273 : memref<1x128xi32, #tpu.memory_space<vmem>> -> memref<128xi32, #tpu.memory_space<vmem>>
    %dma_wait3A_275 = arith.constant 0 : i32
    %dma_wait3A_276 = arith.constant 0 : i32
    %dma_wait3A_277 = tpu.memref_slice %arg5[%dma_wait3A_275, %dma_wait3A_276] : memref<100000x128xf32, #tpu.memory_space<hbm>> -> memref<100000x128xf32, #tpu.memory_space<hbm>>
    tpu.wait_indirect_dma semaphore(%arg18 : memref<!tpu.dma_semaphore, #tpu.memory_space<semaphore_mem>>) src(%dma_wait3A_277 : memref<100000x128xf32, #tpu.memory_space<hbm>>) dst(%dma_wait3A_271 : memref<128x128xf32, #tpu.memory_space<vmem>>)
    %dma_wait3A_278 = arith.constant 2 : i32
    %dma_wait3A_279 = arith.constant 0 : i32
    %dma_wait3A_280 = arith.constant 0 : i32
    %dma_wait3A_281 = tpu.memref_slice %arg11[%dma_wait3A_279, %dma_wait3A_280] : memref<128x128xf32, #tpu.memory_space<vmem>> -> memref<128x128xf32, #tpu.memory_space<vmem>>
    %dma_wait3A_282 = arith.constant 0 : i32
    %dma_wait3A_283 = tpu.memref_slice %arg14[%dma_wait3A_278, %dma_wait3A_282] : memref<4x128xi32, #tpu.memory_space<vmem>> -> memref<1x128xi32, #tpu.memory_space<vmem>>
    %dma_wait3A_284 = tpu.memref_squeeze %dma_wait3A_283 : memref<1x128xi32, #tpu.memory_space<vmem>> -> memref<128xi32, #tpu.memory_space<vmem>>
    %dma_wait3A_285 = arith.constant 0 : i32
    %dma_wait3A_286 = arith.constant 0 : i32
    %dma_wait3A_287 = tpu.memref_slice %arg5[%dma_wait3A_285, %dma_wait3A_286] : memref<100000x128xf32, #tpu.memory_space<hbm>> -> memref<100000x128xf32, #tpu.memory_space<hbm>>
    tpu.wait_indirect_dma semaphore(%arg18 : memref<!tpu.dma_semaphore, #tpu.memory_space<semaphore_mem>>) src(%dma_wait3A_287 : memref<100000x128xf32, #tpu.memory_space<hbm>>) dst(%dma_wait3A_281 : memref<128x128xf32, #tpu.memory_space<vmem>>)
    %dma_wait3A_288 = arith.constant 2 : i32
    %dma_wait3A_289 = arith.constant 0 : i32
    %dma_wait3A_290 = arith.constant 0 : i32
    %dma_wait3A_291 = tpu.memref_slice %arg12[%dma_wait3A_289, %dma_wait3A_290] : memref<128x128xf32, #tpu.memory_space<vmem>> -> memref<128x128xf32, #tpu.memory_space<vmem>>
    %dma_wait3A_292 = arith.constant 0 : i32
    %dma_wait3A_293 = tpu.memref_slice %arg15[%dma_wait3A_288, %dma_wait3A_292] : memref<4x128xi32, #tpu.memory_space<vmem>> -> memref<1x128xi32, #tpu.memory_space<vmem>>
    %dma_wait3A_294 = tpu.memref_squeeze %dma_wait3A_293 : memref<1x128xi32, #tpu.memory_space<vmem>> -> memref<128xi32, #tpu.memory_space<vmem>>
    %dma_wait3A_295 = arith.constant 0 : i32
    %dma_wait3A_296 = arith.constant 0 : i32
    %dma_wait3A_297 = tpu.memref_slice %arg5[%dma_wait3A_295, %dma_wait3A_296] : memref<100000x128xf32, #tpu.memory_space<hbm>> -> memref<100000x128xf32, #tpu.memory_space<hbm>>
    tpu.wait_indirect_dma semaphore(%arg18 : memref<!tpu.dma_semaphore, #tpu.memory_space<semaphore_mem>>) src(%dma_wait3A_297 : memref<100000x128xf32, #tpu.memory_space<hbm>>) dst(%dma_wait3A_291 : memref<128x128xf32, #tpu.memory_space<vmem>>)
    %scan3A_298 = arith.constant 0 : i32
    %scan3A_299 = arith.constant 128 : i32
    %scan3A_300 = arith.addi %scan3A_298, %scan3A_299 : i32
    %scan3A_301 = arith.constant 1 : i32
    %scan3A_302 = scf.for %scan3A_344 = %scan3A_298 to %scan3A_300 step %scan3A_301 iter_args(%scan3A_345 = %scan3A_236) -> (vector<16xf32>)  : i32 {
      %scan3A_346 = arith.constant 0 : i32
      %scan3A_347 = arith.constant 8 : i32
      %scan3A_348 = arith.addi %scan3A_346, %scan3A_347 : i32
      %scan3A_349 = arith.constant 1 : i32
      %scan3A_350 = scf.for %scan3A_399 = %scan3A_346 to %scan3A_348 step %scan3A_349 iter_args(%scan3A_400 = %broadcast_in_dim3A_1) -> (vector<16xf32>)  : i32 {
        %mul3A_401 = arith.constant 16 : i32
        %mul3A_402 = arith.muli %scan3A_399, %mul3A_401 : i32
        %get3A = arith.index_cast %scan3A_344 : i32 to index
        %get3A_403 = arith.index_cast %mul3A_402 : i32 to index
        %get3A_404 = tpu.vector_load %arg10[%get3A, %get3A_403] {strides = array<i32>} : memref<128x128xf32, #tpu.memory_space<vmem>>, vector<16xf32>,
        %mul3A_405 = arith.constant 16 : i32
        %mul3A_406 = arith.muli %scan3A_399, %mul3A_405 : i32
        %get3A_407 = arith.index_cast %scan3A_344 : i32 to index
        %get3A_408 = arith.index_cast %mul3A_406 : i32 to index
        %get3A_409 = tpu.vector_load %arg11[%get3A_407, %get3A_408] {strides = array<i32>} : memref<128x128xf32, #tpu.memory_space<vmem>>, vector<16xf32>,
        %mul3A_410 = arith.constant 16 : i32
        %mul3A_411 = arith.muli %scan3A_399, %mul3A_410 : i32
        %get3A_412 = arith.index_cast %scan3A_344 : i32 to index
        %get3A_413 = arith.index_cast %mul3A_411 : i32 to index
        %get3A_414 = tpu.vector_load %arg12[%get3A_412, %get3A_413] {strides = array<i32>} : memref<128x128xf32, #tpu.memory_space<vmem>>, vector<16xf32>,
        %sub3A = arith.subf %get3A_404, %get3A_409 : vector<16xf32>
        %sub3A_415 = arith.subf %get3A_404, %get3A_414 : vector<16xf32>
        %mul3A_416 = arith.mulf %sub3A, %sub3A : vector<16xf32>
        %mul3A_417 = arith.mulf %sub3A_415, %sub3A_415 : vector<16xf32>
        %sub3A_418 = arith.subf %mul3A_416, %mul3A_417 : vector<16xf32>
        %add3A_419 = arith.addf %scan3A_400, %sub3A_418 : vector<16xf32>
        scf.yield %add3A_419 : vector<16xf32>
      }
      %scan3A_351 = arith.constant 8 : i32
      %lt3A = arith.constant 0 : i32
      %lt3A_352 = vector.broadcast %lt3A : i32 to vector<16xi32>
      %lt3A_353 = arith.cmpi slt, %xor3A_3, %lt3A_352 : vector<16xi32>
      %add3A_354 = arith.constant 16 : i32
      %add3A_355 = vector.broadcast %add3A_354 : i32 to vector<16xi32>
      %add3A_356 = arith.addi %xor3A_3, %add3A_355 : vector<16xi32>
      %select_n3A = arith.select %lt3A_353, %add3A_356, %xor3A_3 : vector<16xi1>, vector<16xi32>
      %broadcast_in_dim3A_357 = vector.shape_cast %select_n3A : vector<16xi32> to vector<16x1xi32>
      %gather3A = vector.shape_cast %broadcast_in_dim3A_357 : vector<16x1xi32> to vector<16xi32>
      %gather3A_358 = tpu.dynamic_gather %scan3A_350[%gather3A] in [0] : vector<16xf32>, vector<16xi32> -> vector<16xf32>
      %add3A_359 = arith.addf %scan3A_350, %gather3A_358 : vector<16xf32>
      %lt3A_360 = arith.constant 0 : i32
      %lt3A_361 = vector.broadcast %lt3A_360 : i32 to vector<16xi32>
      %lt3A_362 = arith.cmpi slt, %xor3A_6, %lt3A_361 : vector<16xi32>
      %add3A_363 = arith.constant 16 : i32
      %add3A_364 = vector.broadcast %add3A_363 : i32 to vector<16xi32>
      %add3A_365 = arith.addi %xor3A_6, %add3A_364 : vector<16xi32>
      %select_n3A_366 = arith.select %lt3A_362, %add3A_365, %xor3A_6 : vector<16xi1>, vector<16xi32>
      %broadcast_in_dim3A_367 = vector.shape_cast %select_n3A_366 : vector<16xi32> to vector<16x1xi32>
      %gather3A_368 = vector.shape_cast %broadcast_in_dim3A_367 : vector<16x1xi32> to vector<16xi32>
      %gather3A_369 = tpu.dynamic_gather %add3A_359[%gather3A_368] in [0] : vector<16xf32>, vector<16xi32> -> vector<16xf32>
      %add3A_370 = arith.addf %add3A_359, %gather3A_369 : vector<16xf32>
      %lt3A_371 = arith.constant 0 : i32
      %lt3A_372 = vector.broadcast %lt3A_371 : i32 to vector<16xi32>
      %lt3A_373 = arith.cmpi slt, %xor3A_9, %lt3A_372 : vector<16xi32>
      %add3A_374 = arith.constant 16 : i32
      %add3A_375 = vector.broadcast %add3A_374 : i32 to vector<16xi32>
      %add3A_376 = arith.addi %xor3A_9, %add3A_375 : vector<16xi32>
      %select_n3A_377 = arith.select %lt3A_373, %add3A_376, %xor3A_9 : vector<16xi1>, vector<16xi32>
      %broadcast_in_dim3A_378 = vector.shape_cast %select_n3A_377 : vector<16xi32> to vector<16x1xi32>
      %gather3A_379 = vector.shape_cast %broadcast_in_dim3A_378 : vector<16x1xi32> to vector<16xi32>
      %gather3A_380 = tpu.dynamic_gather %add3A_370[%gather3A_379] in [0] : vector<16xf32>, vector<16xi32> -> vector<16xf32>
      %add3A_381 = arith.addf %add3A_370, %gather3A_380 : vector<16xf32>
      %lt3A_382 = arith.constant 0 : i32
      %lt3A_383 = vector.broadcast %lt3A_382 : i32 to vector<16xi32>
      %lt3A_384 = arith.cmpi slt, %xor3A_12, %lt3A_383 : vector<16xi32>
      %add3A_385 = arith.constant 16 : i32
      %add3A_386 = vector.broadcast %add3A_385 : i32 to vector<16xi32>
      %add3A_387 = arith.addi %xor3A_12, %add3A_386 : vector<16xi32>
      %select_n3A_388 = arith.select %lt3A_384, %add3A_387, %xor3A_12 : vector<16xi1>, vector<16xi32>
      %broadcast_in_dim3A_389 = vector.shape_cast %select_n3A_388 : vector<16xi32> to vector<16x1xi32>
      %gather3A_390 = vector.shape_cast %broadcast_in_dim3A_389 : vector<16x1xi32> to vector<16xi32>
      %gather3A_391 = tpu.dynamic_gather %add3A_381[%gather3A_390] in [0] : vector<16xf32>, vector<16xi32> -> vector<16xf32>
      %add3A_392 = arith.addf %add3A_381, %gather3A_391 : vector<16xf32>
      %add3A_393 = arith.constant 5.000000e-01 : f32
      %add3A_394 = vector.broadcast %add3A_393 : f32 to vector<16xf32>
      %add3A_395 = arith.addf %add3A_392, %add3A_394 : vector<16xf32>
      %max3A = arith.constant 0.000000e+00 : f32
      %max3A_396 = vector.broadcast %max3A : f32 to vector<16xf32>
      %max3A_397 = arith.maximumf %add3A_395, %max3A_396 : vector<16xf32>
      %add3A_398 = arith.addf %scan3A_345, %max3A_397 : vector<16xf32>
      scf.yield %add3A_398 : vector<16xf32>
    }
    %scan3A_303 = arith.constant 128 : i32
    %dma_wait3A_304 = arith.constant 3 : i32
    %dma_wait3A_305 = arith.constant 0 : i32
    %dma_wait3A_306 = arith.constant 0 : i32
    %dma_wait3A_307 = tpu.memref_slice %arg7[%dma_wait3A_305, %dma_wait3A_306] : memref<128x128xf32, #tpu.memory_space<vmem>> -> memref<128x128xf32, #tpu.memory_space<vmem>>
    %dma_wait3A_308 = arith.constant 0 : i32
    %dma_wait3A_309 = tpu.memref_slice %arg13[%dma_wait3A_304, %dma_wait3A_308] : memref<4x128xi32, #tpu.memory_space<vmem>> -> memref<1x128xi32, #tpu.memory_space<vmem>>
    %dma_wait3A_310 = tpu.memref_squeeze %dma_wait3A_309 : memref<1x128xi32, #tpu.memory_space<vmem>> -> memref<128xi32, #tpu.memory_space<vmem>>
    %dma_wait3A_311 = arith.constant 0 : i32
    %dma_wait3A_312 = arith.constant 0 : i32
    %dma_wait3A_313 = tpu.memref_slice %arg5[%dma_wait3A_311, %dma_wait3A_312] : memref<100000x128xf32, #tpu.memory_space<hbm>> -> memref<100000x128xf32, #tpu.memory_space<hbm>>
    tpu.wait_indirect_dma semaphore(%arg17 : memref<!tpu.dma_semaphore, #tpu.memory_space<semaphore_mem>>) src(%dma_wait3A_313 : memref<100000x128xf32, #tpu.memory_space<hbm>>) dst(%dma_wait3A_307 : memref<128x128xf32, #tpu.memory_space<vmem>>)
    %dma_wait3A_314 = arith.constant 3 : i32
    %dma_wait3A_315 = arith.constant 0 : i32
    %dma_wait3A_316 = arith.constant 0 : i32
    %dma_wait3A_317 = tpu.memref_slice %arg8[%dma_wait3A_315, %dma_wait3A_316] : memref<128x128xf32, #tpu.memory_space<vmem>> -> memref<128x128xf32, #tpu.memory_space<vmem>>
    %dma_wait3A_318 = arith.constant 0 : i32
    %dma_wait3A_319 = tpu.memref_slice %arg14[%dma_wait3A_314, %dma_wait3A_318] : memref<4x128xi32, #tpu.memory_space<vmem>> -> memref<1x128xi32, #tpu.memory_space<vmem>>
    %dma_wait3A_320 = tpu.memref_squeeze %dma_wait3A_319 : memref<1x128xi32, #tpu.memory_space<vmem>> -> memref<128xi32, #tpu.memory_space<vmem>>
    %dma_wait3A_321 = arith.constant 0 : i32
    %dma_wait3A_322 = arith.constant 0 : i32
    %dma_wait3A_323 = tpu.memref_slice %arg5[%dma_wait3A_321, %dma_wait3A_322] : memref<100000x128xf32, #tpu.memory_space<hbm>> -> memref<100000x128xf32, #tpu.memory_space<hbm>>
    tpu.wait_indirect_dma semaphore(%arg17 : memref<!tpu.dma_semaphore, #tpu.memory_space<semaphore_mem>>) src(%dma_wait3A_323 : memref<100000x128xf32, #tpu.memory_space<hbm>>) dst(%dma_wait3A_317 : memref<128x128xf32, #tpu.memory_space<vmem>>)
    %dma_wait3A_324 = arith.constant 3 : i32
    %dma_wait3A_325 = arith.constant 0 : i32
    %dma_wait3A_326 = arith.constant 0 : i32
    %dma_wait3A_327 = tpu.memref_slice %arg9[%dma_wait3A_325, %dma_wait3A_326] : memref<128x128xf32, #tpu.memory_space<vmem>> -> memref<128x128xf32, #tpu.memory_space<vmem>>
    %dma_wait3A_328 = arith.constant 0 : i32
    %dma_wait3A_329 = tpu.memref_slice %arg15[%dma_wait3A_324, %dma_wait3A_328] : memref<4x128xi32, #tpu.memory_space<vmem>> -> memref<1x128xi32, #tpu.memory_space<vmem>>
    %dma_wait3A_330 = tpu.memref_squeeze %dma_wait3A_329 : memref<1x128xi32, #tpu.memory_space<vmem>> -> memref<128xi32, #tpu.memory_space<vmem>>
    %dma_wait3A_331 = arith.constant 0 : i32
    %dma_wait3A_332 = arith.constant 0 : i32
    %dma_wait3A_333 = tpu.memref_slice %arg5[%dma_wait3A_331, %dma_wait3A_332] : memref<100000x128xf32, #tpu.memory_space<hbm>> -> memref<100000x128xf32, #tpu.memory_space<hbm>>
    tpu.wait_indirect_dma semaphore(%arg17 : memref<!tpu.dma_semaphore, #tpu.memory_space<semaphore_mem>>) src(%dma_wait3A_333 : memref<100000x128xf32, #tpu.memory_space<hbm>>) dst(%dma_wait3A_327 : memref<128x128xf32, #tpu.memory_space<vmem>>)
    %scan3A_334 = arith.constant 0 : i32
    %scan3A_335 = arith.constant 128 : i32
    %scan3A_336 = arith.addi %scan3A_334, %scan3A_335 : i32
    %scan3A_337 = arith.constant 1 : i32
    %scan3A_338 = scf.for %scan3A_344 = %scan3A_334 to %scan3A_336 step %scan3A_337 iter_args(%scan3A_345 = %scan3A_302) -> (vector<16xf32>)  : i32 {
      %scan3A_346 = arith.constant 0 : i32
      %scan3A_347 = arith.constant 8 : i32
      %scan3A_348 = arith.addi %scan3A_346, %scan3A_347 : i32
      %scan3A_349 = arith.constant 1 : i32
      %scan3A_350 = scf.for %scan3A_399 = %scan3A_346 to %scan3A_348 step %scan3A_349 iter_args(%scan3A_400 = %broadcast_in_dim3A_1) -> (vector<16xf32>)  : i32 {
        %mul3A_401 = arith.constant 16 : i32
        %mul3A_402 = arith.muli %scan3A_399, %mul3A_401 : i32
        %get3A = arith.index_cast %scan3A_344 : i32 to index
        %get3A_403 = arith.index_cast %mul3A_402 : i32 to index
        %get3A_404 = tpu.vector_load %arg7[%get3A, %get3A_403] {strides = array<i32>} : memref<128x128xf32, #tpu.memory_space<vmem>>, vector<16xf32>,
        %mul3A_405 = arith.constant 16 : i32
        %mul3A_406 = arith.muli %scan3A_399, %mul3A_405 : i32
        %get3A_407 = arith.index_cast %scan3A_344 : i32 to index
        %get3A_408 = arith.index_cast %mul3A_406 : i32 to index
        %get3A_409 = tpu.vector_load %arg8[%get3A_407, %get3A_408] {strides = array<i32>} : memref<128x128xf32, #tpu.memory_space<vmem>>, vector<16xf32>,
        %mul3A_410 = arith.constant 16 : i32
        %mul3A_411 = arith.muli %scan3A_399, %mul3A_410 : i32
        %get3A_412 = arith.index_cast %scan3A_344 : i32 to index
        %get3A_413 = arith.index_cast %mul3A_411 : i32 to index
        %get3A_414 = tpu.vector_load %arg9[%get3A_412, %get3A_413] {strides = array<i32>} : memref<128x128xf32, #tpu.memory_space<vmem>>, vector<16xf32>,
        %sub3A = arith.subf %get3A_404, %get3A_409 : vector<16xf32>
        %sub3A_415 = arith.subf %get3A_404, %get3A_414 : vector<16xf32>
        %mul3A_416 = arith.mulf %sub3A, %sub3A : vector<16xf32>
        %mul3A_417 = arith.mulf %sub3A_415, %sub3A_415 : vector<16xf32>
        %sub3A_418 = arith.subf %mul3A_416, %mul3A_417 : vector<16xf32>
        %add3A_419 = arith.addf %scan3A_400, %sub3A_418 : vector<16xf32>
        scf.yield %add3A_419 : vector<16xf32>
      }
      %scan3A_351 = arith.constant 8 : i32
      %lt3A = arith.constant 0 : i32
      %lt3A_352 = vector.broadcast %lt3A : i32 to vector<16xi32>
      %lt3A_353 = arith.cmpi slt, %xor3A_3, %lt3A_352 : vector<16xi32>
      %add3A_354 = arith.constant 16 : i32
      %add3A_355 = vector.broadcast %add3A_354 : i32 to vector<16xi32>
      %add3A_356 = arith.addi %xor3A_3, %add3A_355 : vector<16xi32>
      %select_n3A = arith.select %lt3A_353, %add3A_356, %xor3A_3 : vector<16xi1>, vector<16xi32>
      %broadcast_in_dim3A_357 = vector.shape_cast %select_n3A : vector<16xi32> to vector<16x1xi32>
      %gather3A = vector.shape_cast %broadcast_in_dim3A_357 : vector<16x1xi32> to vector<16xi32>
      %gather3A_358 = tpu.dynamic_gather %scan3A_350[%gather3A] in [0] : vector<16xf32>, vector<16xi32> -> vector<16xf32>
      %add3A_359 = arith.addf %scan3A_350, %gather3A_358 : vector<16xf32>
      %lt3A_360 = arith.constant 0 : i32
      %lt3A_361 = vector.broadcast %lt3A_360 : i32 to vector<16xi32>
      %lt3A_362 = arith.cmpi slt, %xor3A_6, %lt3A_361 : vector<16xi32>
      %add3A_363 = arith.constant 16 : i32
      %add3A_364 = vector.broadcast %add3A_363 : i32 to vector<16xi32>
      %add3A_365 = arith.addi %xor3A_6, %add3A_364 : vector<16xi32>
      %select_n3A_366 = arith.select %lt3A_362, %add3A_365, %xor3A_6 : vector<16xi1>, vector<16xi32>
      %broadcast_in_dim3A_367 = vector.shape_cast %select_n3A_366 : vector<16xi32> to vector<16x1xi32>
      %gather3A_368 = vector.shape_cast %broadcast_in_dim3A_367 : vector<16x1xi32> to vector<16xi32>
      %gather3A_369 = tpu.dynamic_gather %add3A_359[%gather3A_368] in [0] : vector<16xf32>, vector<16xi32> -> vector<16xf32>
      %add3A_370 = arith.addf %add3A_359, %gather3A_369 : vector<16xf32>
      %lt3A_371 = arith.constant 0 : i32
      %lt3A_372 = vector.broadcast %lt3A_371 : i32 to vector<16xi32>
      %lt3A_373 = arith.cmpi slt, %xor3A_9, %lt3A_372 : vector<16xi32>
      %add3A_374 = arith.constant 16 : i32
      %add3A_375 = vector.broadcast %add3A_374 : i32 to vector<16xi32>
      %add3A_376 = arith.addi %xor3A_9, %add3A_375 : vector<16xi32>
      %select_n3A_377 = arith.select %lt3A_373, %add3A_376, %xor3A_9 : vector<16xi1>, vector<16xi32>
      %broadcast_in_dim3A_378 = vector.shape_cast %select_n3A_377 : vector<16xi32> to vector<16x1xi32>
      %gather3A_379 = vector.shape_cast %broadcast_in_dim3A_378 : vector<16x1xi32> to vector<16xi32>
      %gather3A_380 = tpu.dynamic_gather %add3A_370[%gather3A_379] in [0] : vector<16xf32>, vector<16xi32> -> vector<16xf32>
      %add3A_381 = arith.addf %add3A_370, %gather3A_380 : vector<16xf32>
      %lt3A_382 = arith.constant 0 : i32
      %lt3A_383 = vector.broadcast %lt3A_382 : i32 to vector<16xi32>
      %lt3A_384 = arith.cmpi slt, %xor3A_12, %lt3A_383 : vector<16xi32>
      %add3A_385 = arith.constant 16 : i32
      %add3A_386 = vector.broadcast %add3A_385 : i32 to vector<16xi32>
      %add3A_387 = arith.addi %xor3A_12, %add3A_386 : vector<16xi32>
      %select_n3A_388 = arith.select %lt3A_384, %add3A_387, %xor3A_12 : vector<16xi1>, vector<16xi32>
      %broadcast_in_dim3A_389 = vector.shape_cast %select_n3A_388 : vector<16xi32> to vector<16x1xi32>
      %gather3A_390 = vector.shape_cast %broadcast_in_dim3A_389 : vector<16x1xi32> to vector<16xi32>
      %gather3A_391 = tpu.dynamic_gather %add3A_381[%gather3A_390] in [0] : vector<16xf32>, vector<16xi32> -> vector<16xf32>
      %add3A_392 = arith.addf %add3A_381, %gather3A_391 : vector<16xf32>
      %add3A_393 = arith.constant 5.000000e-01 : f32
      %add3A_394 = vector.broadcast %add3A_393 : f32 to vector<16xf32>
      %add3A_395 = arith.addf %add3A_392, %add3A_394 : vector<16xf32>
      %max3A = arith.constant 0.000000e+00 : f32
      %max3A_396 = vector.broadcast %max3A : f32 to vector<16xf32>
      %max3A_397 = arith.maximumf %add3A_395, %max3A_396 : vector<16xf32>
      %add3A_398 = arith.addf %scan3A_345, %max3A_397 : vector<16xf32>
      scf.yield %add3A_398 : vector<16xf32>
    }
    %scan3A_339 = arith.constant 128 : i32
    %mul3A_340 = arith.constant 3.81469727E-6 : f32
    %mul3A_341 = vector.broadcast %mul3A_340 : f32 to vector<16xf32>
    %mul3A_342 = arith.mulf %scan3A_338, %mul3A_341 : vector<16xf32>
    %swap3A = arith.constant 0 : index
    %swap3A_343 = tpu.vector_load %arg16[%swap3A] {strides = array<i32>} : memref<16xf32, #tpu.memory_space<vmem>>, vector<16xf32>,
    tpu.vector_store %arg16[%swap3A], %mul3A_342 {strides = array<i32>} : memref<16xf32, #tpu.memory_space<vmem>>, vector<16xf32>,
    "tpu.region"() ({
      %run_scoped3A = tpu.sem_alloc : memref<!tpu.dma_semaphore, #tpu.memory_space<semaphore_mem>>
      %dma_start3A_344 = arith.constant 0 : i32
      %dma_start3A_345 = tpu.memref_slice %arg6[%add3A, %dma_start3A_344] : memref<32x16xf32, #tpu.memory_space<hbm>> -> memref<1x16xf32, #tpu.memory_space<hbm>>
      %dma_start3A_346 = tpu.memref_squeeze %dma_start3A_345 : memref<1x16xf32, #tpu.memory_space<hbm>> -> memref<16xf32, #tpu.memory_space<hbm>>
      %dma_start3A_347 = arith.constant 0 : i32
      %dma_start3A_348 = tpu.memref_slice %arg6[%add3A, %dma_start3A_347] : memref<32x16xf32, #tpu.memory_space<hbm>> -> memref<1x16xf32, #tpu.memory_space<hbm>>
      %dma_start3A_349 = tpu.memref_squeeze %dma_start3A_348 : memref<1x16xf32, #tpu.memory_space<hbm>> -> memref<16xf32, #tpu.memory_space<hbm>>
      tpu.enqueue_dma source(%arg16 : memref<16xf32, #tpu.memory_space<vmem>>) target(%dma_start3A_349 : memref<16xf32, #tpu.memory_space<hbm>>) target_semaphore(%run_scoped3A : memref<!tpu.dma_semaphore, #tpu.memory_space<semaphore_mem>>)
      %dma_wait3A_350 = arith.constant 0 : i32
      %dma_wait3A_351 = tpu.memref_slice %arg6[%add3A, %dma_wait3A_350] : memref<32x16xf32, #tpu.memory_space<hbm>> -> memref<1x16xf32, #tpu.memory_space<hbm>>
      %dma_wait3A_352 = tpu.memref_squeeze %dma_wait3A_351 : memref<1x16xf32, #tpu.memory_space<hbm>> -> memref<16xf32, #tpu.memory_space<hbm>>
      %dma_wait3A_353 = arith.constant 0 : i32
      %dma_wait3A_354 = tpu.memref_slice %arg6[%add3A, %dma_wait3A_353] : memref<32x16xf32, #tpu.memory_space<hbm>> -> memref<1x16xf32, #tpu.memory_space<hbm>>
      %dma_wait3A_355 = tpu.memref_squeeze %dma_wait3A_354 : memref<1x16xf32, #tpu.memory_space<hbm>> -> memref<16xf32, #tpu.memory_space<hbm>>
      tpu.wait_dma2 semaphore(%run_scoped3A : memref<!tpu.dma_semaphore, #tpu.memory_space<semaphore_mem>>) src(%arg16 : memref<16xf32, #tpu.memory_space<vmem>>) dst(%dma_wait3A_355 : memref<16xf32, #tpu.memory_space<hbm>>)
      tpu.yield
    }) : () -> ()
    return
  }
}

</mosaic_0001>

<sc_bundles>
// kernel: kernel.3.cloned.1.call-start
scs
__scs_entry_jumppad:
0x0: {  	(pc) =	sbr.rel $0x88, $3  }
0x1: {  	(tag) =	ssettag $0x0;
	lr =	simm.s32 $0x1  }
0x2: {  	[smem:$0x3F9F] =	sst lr;
	_ =	strace $0xD0000000  }
0x3: {  	_ = 	snop  }
0x4: {  	_ = 	snop  }
0x5: {  	_ = 	snop  }
0x6: {  	_ = 	snop  }
0x7: {  	_ = 	snop  }
__scs_overlays_trampoline_lowered:
0x8: {  	[smem:$0x3FAE] =	sst s0  }
0x9: {  	[smem:$0x3FAF] =	sst s1  }
0xa: {  	[smem:$0x3FB0] =	sst s2  }
0xb: {  	[smem:$0x3FB1] =	sst s3  }
0xc: {  	[smem:$0x3FB2] =	sst s4  }
0xd: {  	[smem:$0x3FB3] =	sst s5  }
0xe: {  	[smem:$0x3FB4] =	sst s6  }
0xf: {  	[smem:$0x3FB5] =	sst s7  }
0x10: {  	[smem:$0x3FB6] =	sst s8  }
0x11: {  	[smem:$0x3FB7] =	sst s9;
	s0 =	simm.s32 @!p0 $0x0  }
0x12: {  	s1 =	sld [smem:$0x3F9D];
	s0 =	simm.s32 @p0 $0x1  }
0x13: {  	[smem:$0x3FB8] =	sst s0;
	s0 =	simm.s32 @!p1 $0x0  }
0x14: {  	s2 =	sld [smem:$0x3F9C];
	s0 =	simm.s32 @p1 $0x1  }
0x15: {  	[smem:$0x3FB9] =	sst s0;
	s0 =	simm.s32 @!p2 $0x0  }
0x16: {  	s3 =	sld [smem:$0x3FDB];
	s0 =	simm.s32 @p2 $0x1  }
0x17: {  	s4 =	simm.s32 $0x1BF5;
	[smem:$0x3FBB] =	sst s0  }
0x18: {  	s0 =	sld [smem:$0x3F9E];
	_ =	swait.ge [sflag:s4], $0x0  }
0x19: {  	s7 =	sld [smem:$0x3F9F]  }
0x1a: {  	s8 =	sadd.s32 $0xFFFFE003, lr  }
0x1b: {  	s9 =	sadd.s32 $0xFFFFFEF7, lr;
	s5 =	simm.s32 $0xFFFFFFFF;
	p2 =	slt.u32 s8, $0xFFFFF086  }
0x1c: {  	p1 =	slt.u32 s9, $0xF7A;
	s5 =	simm.s32 @!p2 $0x0  }
0x1d: {  	s5 =	simm.s32 @p1 $0x1;
	p0 =	seq.s32 s7, s2  }
0x1e: {  	s7 =	smul.u32 @!p0 $0xF7A, s2;
	p2 =	seq.s32 @!p0 s5, $0x0  }
0x1f: {  	s9 =	smul.u32 $0xF7A, s1;
	s8 =	simm.s32 @!p0 $0x1BF5;
	p2 =	por !p2, p0  }
0x20: {  	[sflag:s8] =	ssyncset.s32 @!p0 $0xFFFFF086;
	s6 =	sadd.s32 @!p0 s3, s7;
	s7 =	simm.s32 @!p0 $0x108  }
0x21: {  	s3 =	sadd.s32 s3, s9;
	s6 =	sadd.s32 @!p0 $0x88, s6;
	s7 =	simm.s32 @p2 $0x1082  }
0x22: {  	[simem:s7], [sflag:s8] =	dma.local @!p0 [hbm:s6], $0xF7A  }
0x23: {  	s9 =	sor.u32 $0xD0000000, s2;
	s6 =	simm.s32 $0x108;
	_ =	swait.ge @!p0 [sflag:s8], $0x0  }
0x24: {  	s3 =	sadd.s32 $0x88, s3;
	s6 =	simm.s32 @!p1 $0x1082;
	[sflag:s4] =	ssyncset.s32 $0xFFFFF086  }
0x25: {  	[simem:s6], [sflag:s4] =	dma.local [hbm:s3], $0xF7A  }
0x26: {  	[smem:$0x3F9F] =	sst s1;
	(tag) =	ssettag s2;
	_ =	strace s9  }
0x27: {  	s1 =	sld [smem:$0x3FAF]  }
0x28: {  	s2 =	sld [smem:$0x3FB0]  }
0x29: {  	s4 =	sld [smem:$0x3FB2]  }
0x2a: {  	p0 =	seq.s32 s5, $0x0;
	s5 =	sld [smem:$0x3FB3]  }
0x2b: {  	s6 =	sld [smem:$0x3FB4]  }
0x2c: {  	s7 =	sld [smem:$0x3FB5]  }
0x2d: {  	s3 =	simm.s32 $0x108;
	s8 =	sld [smem:$0x3FB6]  }
0x2e: {  	s3 =	simm.s32 @!p0 $0x1082;
	s9 =	sld [smem:$0x3FB7]  }
0x2f: {  	lr =	sadd.s32 s0, s3;
	s0 =	sld [smem:$0x3FAE]  }
0x30: {  	s3 =	sld [smem:$0x3FB1]  }
0x31: {  	[smem:$0x3FBA] =	sst s10  }
0x32: {  	s10 =	sld [smem:$0x3FB8];
	_ =	sdelay $0x3  }
0x33: {  	p0 =	seq.s32 s10, $0x1;
	s10 =	sld [smem:$0x3FBA];
	_ =	sdelay $0x3  }
0x34: {  	[smem:$0x3FBA] =	sst s10  }
0x35: {  	s10 =	sld [smem:$0x3FB9];
	_ =	sdelay $0x3  }
0x36: {  	p1 =	seq.s32 s10, $0x1;
	s10 =	sld [smem:$0x3FBA];
	_ =	sdelay $0x3  }
0x37: {  	[smem:$0x3FBA] =	sst s10  }
0x38: {  	s10 =	sld [smem:$0x3FBB]  }
0x39: {  	_ = 	snop;
	(pc) =	sbr.ind lr, $3  }
0x3a: {  	_ = 	snop  }
0x3b: {  	_ = 	snop  }
0x3c: {  	p2 =	seq.s32 s10, $0x1;
	s10 =	sld [smem:$0x3FBA]  }
0x3d: {  	_ =	shalt  }
0x3e: {  	_ =	shalt  }
0x3f: {  	_ =	shalt  }
0x40: {  	_ =	shalt  }
0x41: {  	_ =	shalt  }
0x42: {  	_ =	shalt  }
0x43: {  	_ =	shalt  }
0x44: {  	_ =	shalt  }
0x45: {  	_ =	shalt  }
0x46: {  	_ =	shalt  }
0x47: {  	_ =	shalt  }
0x48: {  	_ =	shalt  }
0x49: {  	_ =	shalt  }
0x4a: {  	_ =	shalt  }
0x4b: {  	_ =	shalt  }
0x4c: {  	_ =	shalt  }
0x4d: {  	_ =	shalt  }
0x4e: {  	_ =	shalt  }
0x4f: {  	_ =	shalt  }
0x50: {  	_ =	shalt  }
0x51: {  	_ =	shalt  }
0x52: {  	_ =	shalt  }
0x53: {  	_ =	shalt  }
0x54: {  	_ =	shalt  }
0x55: {  	_ =	shalt  }
0x56: {  	_ =	shalt  }
0x57: {  	_ =	shalt  }
0x58: {  	_ =	shalt  }
0x59: {  	_ =	shalt  }
0x5a: {  	_ =	shalt  }
0x5b: {  	_ =	shalt  }
0x5c: {  	_ =	shalt  }
0x5d: {  	_ =	shalt  }
0x5e: {  	_ =	shalt  }
0x5f: {  	_ =	shalt  }
0x60: {  	_ =	shalt  }
0x61: {  	_ =	shalt  }
0x62: {  	_ =	shalt  }
0x63: {  	_ =	shalt  }
0x64: {  	_ =	shalt  }
0x65: {  	_ =	shalt  }
0x66: {  	_ =	shalt  }
0x67: {  	_ =	shalt  }
0x68: {  	_ =	shalt  }
0x69: {  	_ =	shalt  }
0x6a: {  	_ =	shalt  }
0x6b: {  	_ =	shalt  }
0x6c: {  	_ =	shalt  }
0x6d: {  	_ =	shalt  }
0x6e: {  	_ =	shalt  }
0x6f: {  	_ =	shalt  }
0x70: {  	_ =	shalt  }
0x71: {  	_ =	shalt  }
0x72: {  	_ =	shalt  }
0x73: {  	_ =	shalt  }
0x74: {  	_ =	shalt  }
0x75: {  	_ =	shalt  }
0x76: {  	_ =	shalt  }
0x77: {  	_ =	shalt  }
0x78: {  	_ =	shalt  }
0x79: {  	_ =	shalt  }
0x7a: {  	_ =	shalt  }
0x7b: {  	_ =	shalt  }
0x7c: {  	_ =	shalt  }
0x7d: {  	_ =	shalt  }
0x7e: {  	_ =	shalt  }
0x7f: {  	_ =	shalt  }
0x80: {  	_ =	shalt  }
0x81: {  	_ =	shalt  }
0x82: {  	_ =	shalt  }
0x83: {  	_ =	shalt  }
0x84: {  	_ =	shalt  }
0x85: {  	_ =	shalt  }
0x86: {  	_ =	shalt  }
0x87: {  	_ =	shalt  }
.Lfunc_end0:
.L_simem_size_0:
called_computation_lowered:
.L_overlay_start_0:
0x88: {  	s2 =	sld [smem:$0x3FD9]  }
0x89: {  	s3 =	sld [smem:$0x3FFE];
	_ =	sdelay $0x1  }
0x8a: {  	s1 =	srdreg.scid  }
0x8b: {  	s0 =	sand.u32 $0x1, s1  }
0x8c: {  	s17 =	sshll.u32 s0, $0xA;
	s2 =	sadd.s32 s3, s2  }
0x8d: {  	s2 =	sadd.s32 s2, s17  }
0x8e: {  	[smem:$0x3FC6] =	sst s2  }
0x8f: {  	_ = 	snop  }
0x90: {  	s2 =	sld [smem:$0x3FC8];
	(tm) =	ssettm $0x1  }
0x91: {  	s18 =	sld [smem:$0x3FFB];
	_ =	sdelay $0x3  }
0x92: {  	_ =	strace s18  }
0x93: {  	s3 =	sld [smem:$0x3FFC];
	_ =	sdelay $0x3  }
0x94: {  	_ =	strace s3  }
0x95: {  	s3 =	sld [smem:$0x3FFD];
	_ =	sdelay $0x3  }
0x96: {  	_ =	strace s3  }
0x97: {  	_ =	strace $0x8FFFFFFF  }
0x98: {  	s19 =	sld [smem:$0x3FDB];
	_ =	sdelay $0x1  }
0x99: {  	s4 =	simm.s32 $_scs_section_size  }
0x9a: {  	s5 =	simm.s32 $_size__tile_overlayer_lowered;
	s6 =	simm.s32 $_tile_overlayer_lowered  }
0x9b: {  	s22 =	simm.s32 $0x1BFF;
	s21 =	sshll.u32 s6, $0x1;
	s3 =	sadd.s32 s4, s19  }
0x9c: {  	s7 =	simm.s32 $0x0;
	s20 =	sshll.u32 s5, $0x1;
	s5 =	sadd.s32 s21, s3  }
0x9d: {  	[timem:s7], [sflag:s22] =	dma.local [hbm:s5], s20  }
0x9e: {  	_ =	swait.ge [sflag:s22], s20  }
0x9f: {  	s4 =	ssub.s32 $0x0, s20;
	[sflag:s22] =	ssyncset.done $0x0  }
0xa0: {  	[sflag:s22] =	ssyncadd.s32 s4;
	_ =	sdelay $0x1  }
0xa1: {  	s23 =	simm.s32 $0x1B8B  }
0xa2: {  	_ =	swait.ge [sflag:s23], $0x1  }
0xa3: {  	[sflag:s23] =	ssyncset.done $0x0  }
0xa4: {  	s25 =	simm.s32 $0x1B8E;
	s24 =	sld [smem:$0x3FFE];
	[sflag:s23] =	ssyncadd.s32 $0xFFFFFFFF  }
0xa5: {  	s26 =	simm.s32 $execute0_lowered;
	[smem:$0x3FD2] =	sst s25  }
0xa6: {  	s5 =	sshll.u32 s26, $0x1;
	_ =	strace $0x80000046;
	[dreg:$0x1] =	wrdreg $0xFFFFFFFF  }
0xa7: {  	s28 =	simm.s32 $_size_execute0_lowered;
	s3 =	sadd.s32 s3, s5;
	[dreg:$0x0] =	wrdreg $0x0  }
0xa8: {  	s5 =	sshll.u32 s28, $0x1;
	[dreg:$0x2] =	wrdreg s3  }
0xa9: {  	[dreg:$0x3] =	wrdreg s5  }
0xaa: {  	[dreg:$0x4] =	wrdreg $0xC0  }
0xab: {  	_ =	task [dreg:s7], $0x5FFFF  }
0xac: {  	[dreg:$0x1] =	wrdreg $0xFFFFFFFF  }
0xad: {  	[dreg:$0x0] =	wrdreg $0x60  }
0xae: {  	[dreg:$0x2] =	wrdreg s24  }
0xaf: {  	[dreg:$0x3] =	wrdreg s2  }
0xb0: {  	[dreg:$0x4] =	wrdreg $0x9  }
0xb1: {  	_ =	task.clear_ibuf [dreg:s7], $0x5FFFF;
	_ =	strace $0x90000046  }
0xb2: {  	s29 =	simm.s32 $0x9;
	_ =	strace $0x80000048  }
0xb3: {  	_ =	swait.ge [sflag:s29], $0x1  }
0xb4: {  	[sflag:s29] =	ssyncadd.s32 $0xFFFFFFFF  }
0xb5: {  	_ =	strace $0x90000048  }
0xb6: {  	_ =	sfence  }
0xb7: {  	s30 =	sld [smem:$0x0];
	_ =	sdelay $0x2  }
0xb8: {  	s31 =	sshll.u32 s1, $0xD;
	s1 =	sshrl.u32 s1, $0x2  }
0xb9: {  	s3 =	sand.u32 $0x4000, s31;
	s1 =	sadd.s32 s1, s30  }
0xba: {  	s0 =	sor.u32 s3, s0;
	s1 =	sshll.u32 s1, $0x11  }
0xbb: {  	s0 =	sor.u32 s1, s0  }
0xbc: {  	s0 =	sadd.s32 $0x8F2B, s0  }
0xbd: {  	[sflag:s0] =	ssyncadd.remote.s32 $0x1  }
0xbe: {  	_ =	sfence.sel $0xFFFF  }
0xbf: {  	[dreg:$0x0] =	wrdreg $0xFFFFFFFF;
	(pc) =	sbr.abs _section_cstart, $3  }
0xc0: {  	[dreg:$0x1] =	wrdreg $0xFFFFFFFF  }
0xc1: {  	_ =	task.clear_ibuf [dreg:s7], $0x2FFFF;
	_ =	strace $0x9FFFFFFF  }
0xc2: {  	(tm) =	ssettm $0x7FFFFFFF  }
0xc3: {  	_ =	shalt  }
tec
execute0_lowered:
.L_overlay_start_1:
0x0: {  	(tag) =	ssettag $0x1  }
0x1: {  	s0 =	rddreg [dreg:$0x0]  }
0x2: {  	s2 =	rddreg [dreg:$0x1];
	s3 =	simm.s32 $0x0;
	s1 =	srdreg.scid  }
0x3: {  	s4 =	stileid.u32;
	s8 =	simm.s32 $0x18000;
	s9 =	simm.s32 $0x18200  }
0x4: {  	v0 =	vimm.s32 $0xFEDCBA98;
	s10 =	simm.s32 $0x18400;
	s11 =	simm.s32 $0x4000;
	s12 =	simm.s32 $0x8000  }
0x5: {  	v1 =	vimm.s32 $0x76543210;
	s13 =	simm.s32 $0x70;
	s15 =	simm.s32 $0xC000;
	s17 =	simm.s32 $0x10000  }
0x6: {  	v2 =	vimm.s32 $0xBA98FEDC;
	v3 =	vimm.s32 $0x32107654;
	s20 =	simm.s32 $0x3;
	s21 =	simm.s32 $0x10;
	s22 =	simm.s32 $0x14000  }
0x7: {  	v4 =	vimm.s32 $0xDCFE98BA;
	v5 =	vimm.s32 $0x54761032;
	v6 =	vimm.s32 $0xEFCDAB89;
	s23 =	simm.s32 $0x1;
	s24 =	simm.s32 $0x80;
	s29 =	simm.s32 $0x2  }
0x8: {  	v7 =	vimm.s32 $0x67452301;
	s31 =	simm.s32 $0x18300;
	s16 =	simm.s32 $0x18580;
	s18 =	simm.s32 $0x18600;
	v0 =	vunpack.c.l.s4.s8 v0;
	v1 =	vunpack.c.l.s4.s8 v1  }
0x9: {  	[smem:$0x7FF] =	sst s3;
	s1 =	sand.u32 $0x1, s1;
	s4 =	sshll.u32 s4, $0x1;
	v2 =	vunpack.c.l.s4.s8 v2;
	v3 =	vunpack.c.l.s4.s8 v3;
	v4 =	vunpack.c.l.s4.s8 v4  }
0xa: {  	s25 =	simm.s32 $0x0;
	v5 =	vunpack.c.l.s4.s8 v5;
	v6 =	vunpack.c.l.s4.s8 v6;
	v7 =	vunpack.c.l.s4.s8 v7;
	_ =	strace $0x80000047;
	s4 =	sor.u32 s1, s4  }
0xb: {  	s1 =	ssub.s32 $0x2, s1;
	s5 =	sshll.u32 s4, $0x6;
	s4 =	sshll.u32 s4, $0x4;
	v0 =	vunpack.c.0.s8.s32 v0;
	v1 =	vunpack.c.0.s8.s32 v1;
	v2 =	vunpack.c.0.s8.s32 v2  }
0xc: {  	s14 =	sshrl.u32 s1, $0x1;
	v3 =	vunpack.c.0.s8.s32 v3;
	v4 =	vunpack.c.0.s8.s32 v4;
	v5 =	vunpack.c.0.s8.s32 v5;
	s6 =	sadd.s32 s5, s0;
	s0 =	sadd.s32 s4, s0  }
0xd: {  	v6 =	vunpack.c.0.s8.s32 v6;
	v7 =	vunpack.c.0.s8.s32 v7;
	s30 =	ssub.s32 s1, s14;
	s1 =	simm.s32 $0x18180;
	s14 =	simm.s32 $0x18380;
	v0 =	vand.u32 $0xF, v0  }
0xe: {  	s4 =	sadd.s32 $0x1200, s6;
	s5 =	sadd.s32 $0xA00, s6;
	s6 =	sadd.s32 $0x200, s6;
	v0 =	vcombine.low v0, v1;
	v1 =	vcombine.low v3, v2  }
0xf: {  	s7 =	sadd.s32 $0x1A00, s0;
	s19 =	smax.u32 s30, $0x1;
	s0 =	simm.s32 $0x18500;
	v2 =	vcombine.low v5, v4;
	v3 =	vcombine.low v7, v6  }
.LBB2_1:
0x10: {  	[tilespmem:s8], [sflag:$0x3] =	stream.linear.gather [hbm4b:s4+s3], $0x200, $0x38;
	[tilespmem:$0x18680] =	vst v63  }
0x11: {  	_ =	swait.ge [sflag:s20], $0x200  }
0x12: {  	[sflag:s20] =	ssyncset.done $0x0  }
0x13: {  	[sflag:s20] =	ssyncadd.s32 $0xFFFFFE00  }
0x14: {  	[tilespmem:s9], [sflag:$0x3] =	stream.linear.gather [hbm4b:s5+s3], $0x200, $0x38;
	[tilespmem:$0x18680] =	vst v63  }
0x15: {  	_ =	swait.ge [sflag:s20], $0x200  }
0x16: {  	[sflag:s20] =	ssyncset.done $0x0  }
0x17: {  	[sflag:s20] =	ssyncadd.s32 $0xFFFFFE00  }
0x18: {  	[tilespmem:s10], [sflag:$0x3] =	stream.linear.gather [hbm4b:s6+s3], $0x200, $0x38;
	[tilespmem:$0x18680] =	vst v63  }
0x19: {  	_ =	swait.ge [sflag:s20], $0x200  }
0x1a: {  	[sflag:s20] =	ssyncset.done $0x0  }
0x1b: {  	[sflag:s20] =	ssyncadd.s32 $0xFFFFFE00  }
0x1c: {  	[tilespmem:s3], [sflag:$0x1] =	stream.indirect.gather [hbm4b:s2+s21], $0x80, s8, s21, $0xb8;
	[tilespmem:$0x18680] =	vst v63  }
0x1d: {  	_ = 	snop  }
0x1e: {  	[tilespmem:s11], [sflag:$0x1] =	stream.indirect.gather [hbm4b:s2+s21], $0x80, s9, s21, $0xb8;
	[tilespmem:$0x18680] =	vst v63  }
0x1f: {  	_ = 	snop  }
0x20: {  	[tilespmem:s12], [sflag:$0x1] =	stream.indirect.gather [hbm4b:s2+s21], $0x80, s10, s21, $0xb8;
	[tilespmem:$0x18680] =	vst v63  }
0x21: {  	s26 =	simm.s32 $0x18010  }
0x22: {  	[tilespmem:s15], [sflag:$0x2] =	stream.indirect.gather [hbm4b:s2+s13], $0x80, s26, s13, $0xb8;
	[tilespmem:$0x18680] =	vst v63  }
0x23: {  	s30 =	simm.s32 $0x18210  }
0x24: {  	[tilespmem:s17], [sflag:$0x2] =	stream.indirect.gather [hbm4b:s2+s13], $0x80, s30, s13, $0xb8;
	[tilespmem:$0x18680] =	vst v63  }
0x25: {  	s30 =	simm.s32 $0x18410  }
0x26: {  	[tilespmem:s22], [sflag:$0x2] =	stream.indirect.gather [hbm4b:s2+s13], $0x80, s30, s13, $0xb8;
	[tilespmem:$0x18680] =	vst v63  }
0x27: {  	_ =	swait.ge [sflag:s23], $0x800  }
0x28: {  	[sflag:s23] =	ssyncset.done $0x0  }
0x29: {  	[sflag:s23] =	ssyncadd.s32 $0xFFFFF800  }
0x2a: {  	_ =	swait.ge [sflag:s23], $0x800  }
0x2b: {  	[sflag:s23] =	ssyncset.done $0x0  }
0x2c: {  	[sflag:s23] =	ssyncadd.s32 $0xFFFFF800  }
0x2d: {  	_ =	swait.ge [sflag:s23], $0x800  }
0x2e: {  	[sflag:s23] =	ssyncset.done $0x0  }
0x2f: {  	s28 =	simm.s32 $0x0;
	[sflag:s23] =	ssyncadd.s32 $0xFFFFF800  }
0x30: {  	v4 =	vld [tilespmem:s28+$0x70]  }
0x31: {  	v15 =	vld [tilespmem:s28+$0x4070]  }
0x32: {  	v13 =	vld [tilespmem:s28+$0x60]  }
0x33: {  	v6 =	vld [tilespmem:s28+$0x4060]  }
0x34: {  	v14 =	vld [tilespmem:s28+$0x8060]  }
0x35: {  	v9 =	vld [tilespmem:s28+$0x50]  }
0x36: {  	v11 =	vld [tilespmem:s28+$0x4050]  }
0x37: {  	v8 =	vld [tilespmem:s28+$0x40]  }
0x38: {  	v10 =	vld [tilespmem:s28+$0x4040]  }
0x39: {  	v12 =	vld [tilespmem:s28+$0x30]  }
0x3a: {  	v7 =	vld [tilespmem:s28+$0x4030]  }
0x3b: {  	v16 =	vld [tilespmem:s28+$0x20]  }
0x3c: {  	v17 =	vld [tilespmem:s28+$0x4020]  }
0x3d: {  	v18 =	vld [tilespmem:s28+$0x0]  }
0x3e: {  	v19 =	vld [tilespmem:s28+$0x4000]  }
0x3f: {  	v20 =	vld [tilespmem:s28+$0x8000]  }
0x40: {  	v21 =	vld [tilespmem:s28+$0x10]  }
0x41: {  	v22 =	vld [tilespmem:s28+$0x4010]  }
0x42: {  	v23 =	vld [tilespmem:s28+$0x8010]  }
0x43: {  	s26 =	simm.s32 $0x80;
	v24 =	vld [tilespmem:s28+$0x8020]  }
0x44: {  	v5 =	vld [tilespmem:s26+$0x70]  }
0x45: {  	v26 =	vld [tilespmem:s28+$0x8030];
	v25 =	vsub.f32 v13, v6;
	v17 =	vsub.f32 v16, v17  }
0x46: {  	v27 =	vld [tilespmem:s28+$0x8050];
	v19 =	vsub.f32 v18, v19;
	v18 =	vsub.f32 v18, v20  }
0x47: {  	v6 =	vld [tilespmem:s26+$0x4070];
	v20 =	vsub.f32 v21, v22;
	v21 =	vsub.f32 v21, v23  }
0x48: {  	v22 =	vld [tilespmem:s28+$0x8040];
	v16 =	vsub.f32 v16, v24;
	v19 =	vmul.f32 v19, v19;
	v18 =	vmul.f32 v18, v18  }
0x49: {  	v23 =	vld [tilespmem:s28+$0x8070];
	v61 =	vsub.f32 v12, v7;
	v20 =	vmul.f32 v20, v20;
	v21 =	vmul.f32 v21, v21  }
0x4a: {  	v7 =	vld [tilespmem:s26+$0x60];
	v26 =	vsub.f32 v12, v26;
	v17 =	vmul.f32 v17, v17;
	v16 =	vmul.f32 v16, v16  }
0x4b: {  	v12 =	vld [tilespmem:s26+$0x4060];
	v18 =	vsub.f32 v19, v18;
	v19 =	vsub.f32 v20, v21  }
0x4c: {  	v20 =	vsub.f32 v8, v10;
	v10 =	vld [tilespmem:s26+$0x8060];
	v16 =	vsub.f32 v17, v16;
	v17 =	vmul.f32 v61, v61  }
0x4d: {  	v21 =	vsub.f32 v8, v22;
	v8 =	vld [tilespmem:s26+$0x50];
	v18 =	vadd.f32 v19, v18;
	v19 =	vmul.f32 v26, v26  }
0x4e: {  	v62 =	vsub.f32 v9, v27;
	v22 =	vsub.f32 v9, v11;
	v11 =	vld [tilespmem:s26+$0x4050];
	v20 =	vmul.f32 v20, v20  }
0x4f: {  	v9 =	vld [tilespmem:s26+$0x40];
	v21 =	vmul.f32 v21, v21;
	v16 =	vadd.f32 v16, v18;
	v17 =	vsub.f32 v17, v19  }
0x50: {  	v18 =	vsub.f32 v13, v14;
	v14 =	vld [tilespmem:s26+$0x4040];
	v19 =	vmul.f32 v22, v22  }
0x51: {  	v22 =	vmul.f32 v62, v62;
	v13 =	vld [tilespmem:s26+$0x30];
	v20 =	vsub.f32 v20, v21;
	v21 =	vadd.f32 v17, v16  }
0x52: {  	v15 =	vsub.f32 v4, v15;
	v63 =	vmul.f32 v25, v25;
	v4 =	vsub.f32 v4, v23;
	v17 =	vld [tilespmem:s26+$0x4030]  }
0x53: {  	v22 =	vsub.f32 v19, v22;
	v16 =	vld [tilespmem:s26+$0x20];
	v20 =	vadd.f32 v20, v21;
	v21 =	vmul.f32 v18, v18  }
0x54: {  	v15 =	vmul.f32 v15, v15;
	v19 =	vld [tilespmem:s26+$0x0]  }
0x55: {  	v4 =	vmul.f32 v4, v4;
	v18 =	vld [tilespmem:s26+$0x4020];
	v22 =	vadd.f32 v22, v20;
	v23 =	vsub.f32 v63, v21  }
0x56: {  	v20 =	vld [tilespmem:s26+$0x4000]  }
0x57: {  	v15 =	vsub.f32 v15, v4;
	v21 =	vld [tilespmem:s26+$0x8000];
	v24 =	vadd.f32 v23, v22  }
0x58: {  	v22 =	vld [tilespmem:s26+$0x10]  }
0x59: {  	s28 =	simm.s32 $0x400;
	v4 =	vimm.f32 $0.0e+00;
	v23 =	vld [tilespmem:s26+$0x4010];
	v15 =	vadd.f32 v15, v24  }
.LBB2_2:
0x5a: {  	p0 =	sne.s32 s28, $0x1E00;
	v24 =	vld [tilespmem:s26+$0x8010];
	v25 =	vsub.f32 v7, v12;
	v26 =	vsub.f32 v5, v6  }
0x5b: {  	s30 =	sshra.s32 s28, $0x2;
	v27 =	vsub.f32 v8, v11;
	v28 =	vsub.f32 v7, v10;
	v12 =	vld [tilespmem:s26+$0x8020];
	v6 =	vperm.xlane v15, v0  }
0x5c: {  	v11 =	vsub.f32 v13, v17;
	v14 =	vsub.f32 v9, v14;
	v29 =	vld [tilespmem:s30+$0x70]  }
0x5d: {  	v10 =	vsub.f32 v16, v18;
	v17 =	vld [tilespmem:s26+$0x8030];
	v7 =	vadd.f32 v6, v15  }
0x5e: {  	v18 =	vsub.f32 v19, v21;
	v15 =	vsub.f32 v19, v20;
	v6 =	vld [tilespmem:s30+$0x4070]  }
0x5f: {  	v19 =	vsub.f32 v22, v23;
	v20 =	vsub.f32 v22, v24;
	v21 =	vld [tilespmem:s26+$0x8040];
	v22 =	vperm.xlane v7, v1  }
0x60: {  	v18 =	vmul.f32 v18, v18;
	v15 =	vmul.f32 v15, v15;
	v12 =	vsub.f32 v16, v12;
	v16 =	vld [tilespmem:s26+$0x8070]  }
0x61: {  	v19 =	vmul.f32 v19, v19;
	v20 =	vmul.f32 v20, v20;
	v23 =	vld [tilespmem:s26+$0x8050];
	v22 =	vadd.f32 v22, v7;
	s26 =	smov.u32 s30  }
0x62: {  	v24 =	vmul.f32 v10, v10;
	v7 =	vld [tilespmem:s26+$0x60];
	v30 =	vmul.f32 v12, v12;
	v13 =	vsub.f32 v13, v17  }
0x63: {  	v15 =	vsub.f32 v15, v18;
	v12 =	vld [tilespmem:s26+$0x4060];
	v17 =	vsub.f32 v19, v20;
	v18 =	vperm.xlane v22, v2  }
0x64: {  	v20 =	vmul.f32 v11, v11;
	v10 =	vld [tilespmem:s26+$0x8060];
	v19 =	vsub.f32 v24, v30;
	v9 =	vsub.f32 v9, v21  }
0x65: {  	v13 =	vmul.f32 v13, v13;
	v21 =	vld [tilespmem:s26+$0x50];
	v15 =	vadd.f32 v17, v15;
	v17 =	vadd.f32 v18, v22  }
0x66: {  	v18 =	vmul.f32 v14, v14;
	v11 =	vld [tilespmem:s26+$0x4050];
	v22 =	vmul.f32 v9, v9;
	v8 =	vsub.f32 v8, v23  }
0x67: {  	v9 =	vld [tilespmem:s26+$0x40];
	v15 =	vadd.f32 v19, v15;
	v19 =	vsub.f32 v20, v13;
	v20 =	vperm.xlane v17, v3  }
0x68: {  	v14 =	vld [tilespmem:s26+$0x4040];
	v18 =	vsub.f32 v18, v22;
	v22 =	vmul.f32 v27, v27;
	v27 =	vmul.f32 v8, v8  }
0x69: {  	v13 =	vld [tilespmem:s26+$0x30];
	v15 =	vadd.f32 v19, v15;
	v19 =	vadd.f32 v20, v17  }
0x6a: {  	v23 =	vsub.f32 v5, v16;
	v5 =	vmovc v29;
	v17 =	vld [tilespmem:s26+$0x4030];
	v20 =	vsub.f32 v22, v27;
	v22 =	vmul.f32 v25, v25  }
0x6b: {  	v24 =	vmul.f32 v28, v28;
	v8 =	vmovc v21;
	v16 =	vld [tilespmem:s26+$0x20];
	v15 =	vadd.f32 v18, v15;
	v25 =	vadd.f32 $5.000000000e-01, v19  }
0x6c: {  	v26 =	vmul.f32 v26, v26;
	v23 =	vmul.f32 v23, v23;
	v18 =	vld [tilespmem:s26+$0x4020]  }
.Ltmp0:
0x6d: {  	v22 =	vsub.f32 v22, v24;
	v19 =	vld [tilespmem:s26+$0x0];
	v15 =	vadd.f32 v20, v15;
	v21 =	vmax.f32 v25, $0.0e+00;
	(pc) =	sbr.rel @p0 .LBB2_2-.Ltmp0, $4  }
0x6e: {  	v20 =	vld [tilespmem:s26+$0x4000];
	v4 =	vadd.f32 v21, v4  }
0x6f: {  	v24 =	vsub.f32 v26, v23;
	v21 =	vld [tilespmem:s26+$0x8000];
	v15 =	vadd.f32 v22, v15  }
0x70: {  	v22 =	vld [tilespmem:s26+$0x10]  }
0x71: {  	s28 =	sadd.s32 $0x200, s28;
	v23 =	vld [tilespmem:s26+$0x4010];
	v15 =	vadd.f32 v24, v15  }
0x72: {  	v24 =	vld [tilespmem:s26+$0x8010]  }
0x73: {  	v25 =	vld [tilespmem:s26+$0x8020]  }
0x74: {  	v26 =	vld [tilespmem:s26+$0x8030]  }
0x75: {  	v27 =	vld [tilespmem:s26+$0x8040]  }
0x76: {  	v28 =	vld [tilespmem:s26+$0x8070];
	s30 =	simm.s32 $0x0;
	s28 =	simm.s32 $0x18080  }
0x77: {  	v29 =	vld [tilespmem:s26+$0x8050];
	[tilespmem:s30], [sflag:$0x1] =	stream.indirect.gather [hbm4b:s2+s24], $0x80, s28, s24, $0xb8  }
0x78: {  	s30 =	simm.s32 $0x18280  }
0x79: {  	v12 =	vsub.f32 v7, v12;
	v18 =	vsub.f32 v16, v18;
	[tilespmem:s11], [sflag:$0x1] =	stream.indirect.gather [hbm4b:s2+s24], $0x80, s30, s24, $0xb8;
	[tilespmem:$0x18680] =	vst v63  }
0x7a: {  	v20 =	vsub.f32 v19, v20;
	v19 =	vsub.f32 v19, v21;
	s30 =	simm.s32 $0x18480  }
0x7b: {  	v21 =	vsub.f32 v22, v23;
	v22 =	vsub.f32 v22, v24;
	[tilespmem:s12], [sflag:$0x1] =	stream.indirect.gather [hbm4b:s2+s24], $0x80, s30, s24, $0xb8;
	[tilespmem:$0x18680] =	vst v63  }
0x7c: {  	v17 =	vsub.f32 v13, v17;
	v20 =	vmul.f32 v20, v20;
	v19 =	vmul.f32 v19, v19;
	_ =	swait.ge [sflag:s29], $0x3800  }
0x7d: {  	v16 =	vsub.f32 v16, v25;
	v21 =	vmul.f32 v21, v21;
	v22 =	vmul.f32 v22, v22;
	[sflag:s29] =	ssyncset.done $0x0  }
0x7e: {  	v14 =	vsub.f32 v9, v14;
	v18 =	vmul.f32 v18, v18;
	v13 =	vsub.f32 v13, v26;
	[sflag:s29] =	ssyncadd.s32 $0xFFFFC800  }
0x7f: {  	v19 =	vsub.f32 v20, v19;
	v16 =	vmul.f32 v16, v16;
	v20 =	vsub.f32 v21, v22;
	_ =	swait.ge [sflag:s29], $0x3800  }
0x80: {  	v11 =	vsub.f32 v8, v11;
	v7 =	vsub.f32 v7, v10;
	v17 =	vmul.f32 v17, v17;
	[sflag:s29] =	ssyncset.done $0x0  }
0x81: {  	v13 =	vmul.f32 v13, v13;
	v16 =	vsub.f32 v18, v16;
	v18 =	vadd.f32 v20, v19;
	[sflag:s29] =	ssyncadd.s32 $0xFFFFC800  }
0x82: {  	v9 =	vsub.f32 v9, v27;
	v8 =	vsub.f32 v8, v29;
	_ =	swait.ge [sflag:s29], $0x3800  }
0x83: {  	v14 =	vmul.f32 v14, v14;
	v13 =	vsub.f32 v17, v13;
	v16 =	vadd.f32 v16, v18;
	[sflag:s29] =	ssyncset.done $0x0  }
0x84: {  	v6 =	vsub.f32 v5, v6;
	s28 =	simm.s32 $0x0;
	v10 =	vmul.f32 v11, v11;
	v8 =	vmul.f32 v8, v8;
	[sflag:s29] =	ssyncadd.s32 $0xFFFFC800  }
0x85: {  	v7 =	vmul.f32 v7, v7;
	v9 =	vmul.f32 v9, v9;
	v11 =	vadd.f32 v13, v16;
	v16 =	vld [tilespmem:s28+$0xC070]  }
0x86: {  	v5 =	vsub.f32 v5, v28;
	v8 =	vsub.f32 v10, v8;
	v10 =	vmul.f32 v12, v12;
	v17 =	vld [tilespmem:s28+$0x10070]  }
0x87: {  	v6 =	vmul.f32 v6, v6;
	v9 =	vsub.f32 v14, v9;
	v13 =	vld [tilespmem:s28+$0xC060]  }
0x88: {  	v5 =	vmul.f32 v5, v5;
	v7 =	vsub.f32 v10, v7;
	v10 =	vperm.xlane v15, v0;
	v14 =	vld [tilespmem:s28+$0x14060]  }
0x89: {  	v18 =	vld [tilespmem:s28+$0x10050];
	v9 =	vadd.f32 v9, v11  }
0x8a: {  	v5 =	vsub.f32 v6, v5;
	v6 =	vadd.f32 v10, v15;
	v15 =	vld [tilespmem:s28+$0x10030]  }
0x8b: {  	v19 =	vld [tilespmem:s28+$0xC020];
	v8 =	vadd.f32 v8, v9  }
0x8c: {  	v22 =	vld [tilespmem:s28+$0x10000]  }
0x8d: {  	v23 =	vld [tilespmem:s28+$0x14000];
	v7 =	vadd.f32 v7, v8  }
0x8e: {  	v53 =	vld [tilespmem:s28+$0x14010]  }
0x8f: {  	v54 =	vld [tilespmem:s28+$0x14020];
	v5 =	vadd.f32 v5, v7  }
0x90: {  	v10 =	vperm.xlane v6, v1;
	v55 =	vld [tilespmem:s28+$0x14030]  }
0x91: {  	v56 =	vld [tilespmem:s28+$0x10040];
	v12 =	vperm.xlane v5, v0  }
0x92: {  	v58 =	vld [tilespmem:s28+$0x14070];
	v6 =	vadd.f32 v10, v6  }
0x93: {  	v11 =	vld [tilespmem:s28+$0xC050];
	v5 =	vadd.f32 v12, v5  }
0x94: {  	v20 =	vperm.xlane v6, v2;
	v12 =	vld [tilespmem:s28+$0xC000]  }
0x95: {  	v10 =	vld [tilespmem:s28+$0x10020];
	v21 =	vperm.xlane v5, v1  }
0x96: {  	v6 =	vadd.f32 v20, v6;
	v20 =	vld [tilespmem:s28+$0xC010]  }
0x97: {  	v5 =	vadd.f32 v21, v5;
	v21 =	vld [tilespmem:s28+$0x10010]  }
0x98: {  	v7 =	vld [tilespmem:s28+$0xC030]  }
0x99: {  	v9 =	vld [tilespmem:s28+$0x10060];
	v63 =	vsub.f32 v16, v17;
	v51 =	vperm.xlane v6, v3;
	v22 =	vsub.f32 v12, v22  }
0x9a: {  	v8 =	vld [tilespmem:s28+$0xC040];
	v10 =	vsub.f32 v19, v10;
	v12 =	vsub.f32 v12, v23  }
0x9b: {  	s26 =	simm.s32 $0x80;
	v19 =	vsub.f32 v19, v54;
	v24 =	vadd.f32 v51, v6;
	v23 =	vld [tilespmem:s28+$0x14040];
	v22 =	vmul.f32 v22, v22  }
0x9c: {  	v17 =	vld [tilespmem:s26+$0x10030];
	v12 =	vmul.f32 v12, v12;
	v21 =	vsub.f32 v20, v21;
	v20 =	vsub.f32 v20, v53  }
0x9d: {  	v6 =	vld [tilespmem:s26+$0x10070];
	v15 =	vsub.f32 v7, v15;
	v57 =	vsub.f32 v7, v55;
	v52 =	vperm.xlane v5, v2  }
0x9e: {  	v7 =	vmul.f32 v21, v21;
	v20 =	vmul.f32 v20, v20;
	v21 =	vsub.f32 v22, v12;
	v22 =	vld [tilespmem:s28+$0x14050]  }
0x9f: {  	v10 =	vmul.f32 v10, v10;
	v60 =	vsub.f32 v8, v56;
	v25 =	vadd.f32 v52, v5;
	v5 =	vld [tilespmem:s26+$0xC070]  }
0xa0: {  	v23 =	vsub.f32 v8, v23;
	v8 =	vld [tilespmem:s26+$0xC050];
	v12 =	vmul.f32 v19, v19;
	v20 =	vsub.f32 v7, v20  }
0xa1: {  	v18 =	vsub.f32 v11, v18;
	v59 =	vsub.f32 v13, v9;
	v15 =	vmul.f32 v15, v15;
	v7 =	vld [tilespmem:s26+$0xC060]  }
0xa2: {  	v9 =	vsub.f32 v10, v12;
	v12 =	vld [tilespmem:s26+$0x10060];
	v20 =	vadd.f32 v20, v21;
	v21 =	vmul.f32 v57, v57  }
0xa3: {  	v61 =	vmul.f32 v60, v60;
	v23 =	vmul.f32 v23, v23;
	v10 =	vld [tilespmem:s26+$0x14060];
	v22 =	vsub.f32 v11, v22  }
0xa4: {  	v11 =	vld [tilespmem:s26+$0x10050];
	v20 =	vadd.f32 v9, v20;
	v15 =	vsub.f32 v15, v21  }
0xa5: {  	v16 =	vsub.f32 v16, v58;
	v18 =	vmul.f32 v18, v18;
	v23 =	vsub.f32 v61, v23;
	v9 =	vld [tilespmem:s26+$0xC040]  }
0xa6: {  	v21 =	vsub.f32 v13, v14;
	v14 =	vld [tilespmem:s26+$0x10040];
	v22 =	vmul.f32 v22, v22;
	v20 =	vadd.f32 v15, v20  }
0xa7: {  	v62 =	vperm.xlane v25, v3;
	v19 =	vadd.f32 $5.000000000e-01, v24;
	v24 =	vmul.f32 v59, v59;
	v13 =	vld [tilespmem:s26+$0xC030]  }
0xa8: {  	v15 =	vld [tilespmem:s26+$0xC020];
	v21 =	vmul.f32 v21, v21;
	v22 =	vsub.f32 v18, v22;
	v20 =	vadd.f32 v23, v20  }
0xa9: {  	v26 =	vmul.f32 v63, v63;
	v16 =	vmul.f32 v16, v16;
	v25 =	vadd.f32 v62, v25;
	v18 =	vld [tilespmem:s26+$0x10020]  }
0xaa: {  	v23 =	vmax.f32 v19, $0.0e+00;
	v19 =	vld [tilespmem:s26+$0xC000];
	v24 =	vsub.f32 v24, v21;
	v22 =	vadd.f32 v22, v20  }
0xab: {  	v21 =	vld [tilespmem:s26+$0x14000];
	v4 =	vadd.f32 v23, v4;
	v23 =	vadd.f32 $5.000000000e-01, v25  }
0xac: {  	v16 =	vsub.f32 v26, v16;
	v20 =	vld [tilespmem:s26+$0x10000];
	v24 =	vadd.f32 v24, v22  }
0xad: {  	v23 =	vmax.f32 v23, $0.0e+00;
	v22 =	vld [tilespmem:s26+$0xC010]  }
0xae: {  	s28 =	simm.s32 $0x400;
	v4 =	vadd.f32 v23, v4;
	v23 =	vld [tilespmem:s26+$0x10010];
	v16 =	vadd.f32 v16, v24  }
.LBB2_4:
0xaf: {  	p0 =	sne.s32 s28, $0xDE00;
	v24 =	vld [tilespmem:s26+$0x14010];
	v25 =	vsub.f32 v7, v12;
	v26 =	vsub.f32 v5, v6  }
0xb0: {  	s30 =	sshra.s32 s28, $0x2;
	v27 =	vsub.f32 v8, v11;
	v28 =	vsub.f32 v7, v10;
	v12 =	vld [tilespmem:s26+$0x14020];
	v6 =	vperm.xlane v16, v0  }
0xb1: {  	v11 =	vsub.f32 v13, v17;
	v14 =	vsub.f32 v9, v14;
	v29 =	vld [tilespmem:s30+$0xC070]  }
0xb2: {  	v10 =	vsub.f32 v15, v18;
	v17 =	vld [tilespmem:s26+$0x14030];
	v7 =	vadd.f32 v6, v16  }
0xb3: {  	v18 =	vsub.f32 v19, v21;
	v16 =	vsub.f32 v19, v20;
	v6 =	vld [tilespmem:s30+$0x10070]  }
0xb4: {  	v19 =	vsub.f32 v22, v23;
	v20 =	vsub.f32 v22, v24;
	v21 =	vld [tilespmem:s26+$0x14040];
	v22 =	vperm.xlane v7, v1  }
0xb5: {  	v18 =	vmul.f32 v18, v18;
	v16 =	vmul.f32 v16, v16;
	v12 =	vsub.f32 v15, v12;
	v15 =	vld [tilespmem:s26+$0x14070]  }
0xb6: {  	v19 =	vmul.f32 v19, v19;
	v20 =	vmul.f32 v20, v20;
	v23 =	vld [tilespmem:s26+$0x14050];
	v22 =	vadd.f32 v22, v7;
	s26 =	smov.u32 s30  }
0xb7: {  	v24 =	vmul.f32 v10, v10;
	v7 =	vld [tilespmem:s26+$0xC060];
	v30 =	vmul.f32 v12, v12;
	v13 =	vsub.f32 v13, v17  }
0xb8: {  	v16 =	vsub.f32 v16, v18;
	v12 =	vld [tilespmem:s26+$0x10060];
	v17 =	vsub.f32 v19, v20;
	v18 =	vperm.xlane v22, v2  }
0xb9: {  	v20 =	vmul.f32 v11, v11;
	v10 =	vld [tilespmem:s26+$0x14060];
	v19 =	vsub.f32 v24, v30;
	v9 =	vsub.f32 v9, v21  }
0xba: {  	v13 =	vmul.f32 v13, v13;
	v21 =	vld [tilespmem:s26+$0xC050];
	v16 =	vadd.f32 v17, v16;
	v17 =	vadd.f32 v18, v22  }
0xbb: {  	v18 =	vmul.f32 v14, v14;
	v11 =	vld [tilespmem:s26+$0x10050];
	v22 =	vmul.f32 v9, v9;
	v8 =	vsub.f32 v8, v23  }
0xbc: {  	v9 =	vld [tilespmem:s26+$0xC040];
	v16 =	vadd.f32 v19, v16;
	v19 =	vsub.f32 v20, v13;
	v20 =	vperm.xlane v17, v3  }
0xbd: {  	v14 =	vld [tilespmem:s26+$0x10040];
	v18 =	vsub.f32 v18, v22;
	v22 =	vmul.f32 v27, v27;
	v27 =	vmul.f32 v8, v8  }
0xbe: {  	v13 =	vld [tilespmem:s26+$0xC030];
	v16 =	vadd.f32 v19, v16;
	v19 =	vadd.f32 v20, v17  }
0xbf: {  	v23 =	vsub.f32 v5, v15;
	v5 =	vmovc v29;
	v17 =	vld [tilespmem:s26+$0x10030];
	v20 =	vsub.f32 v22, v27;
	v22 =	vmul.f32 v25, v25  }
0xc0: {  	v24 =	vmul.f32 v28, v28;
	v8 =	vmovc v21;
	v15 =	vld [tilespmem:s26+$0xC020];
	v16 =	vadd.f32 v18, v16;
	v25 =	vadd.f32 $5.000000000e-01, v19  }
0xc1: {  	v26 =	vmul.f32 v26, v26;
	v23 =	vmul.f32 v23, v23;
	v18 =	vld [tilespmem:s26+$0x10020]  }
.Ltmp1:
0xc2: {  	v22 =	vsub.f32 v22, v24;
	v19 =	vld [tilespmem:s26+$0xC000];
	v16 =	vadd.f32 v20, v16;
	v21 =	vmax.f32 v25, $0.0e+00;
	(pc) =	sbr.rel @p0 .LBB2_4-.Ltmp1, $4  }
0xc3: {  	v20 =	vld [tilespmem:s26+$0x10000];
	v4 =	vadd.f32 v21, v4  }
0xc4: {  	v24 =	vsub.f32 v26, v23;
	v21 =	vld [tilespmem:s26+$0x14000];
	v16 =	vadd.f32 v22, v16  }
0xc5: {  	v22 =	vld [tilespmem:s26+$0xC010]  }
0xc6: {  	s28 =	sadd.s32 $0x200, s28;
	v23 =	vld [tilespmem:s26+$0x10010];
	v16 =	vadd.f32 v24, v16  }
0xc7: {  	v24 =	vld [tilespmem:s26+$0x14010]  }
0xc8: {  	v25 =	vld [tilespmem:s26+$0x14020]  }
0xc9: {  	v26 =	vld [tilespmem:s26+$0x14030]  }
0xca: {  	v27 =	vld [tilespmem:s26+$0x14040]  }
0xcb: {  	v28 =	vld [tilespmem:s26+$0x14070];
	s30 =	simm.s32 $0x18100  }
0xcc: {  	v29 =	vld [tilespmem:s26+$0x14050];
	[tilespmem:s15], [sflag:$0x2] =	stream.indirect.gather [hbm4b:s2+s24], $0x80, s30, s24, $0xb8  }
0xcd: {  	_ = 	snop  }
0xce: {  	v12 =	vsub.f32 v7, v12;
	v18 =	vsub.f32 v15, v18;
	[tilespmem:s17], [sflag:$0x2] =	stream.indirect.gather [hbm4b:s2+s24], $0x80, s31, s24, $0xb8;
	[tilespmem:$0x18680] =	vst v63  }
0xcf: {  	v20 =	vsub.f32 v19, v20;
	v19 =	vsub.f32 v19, v21  }
0xd0: {  	v21 =	vsub.f32 v22, v23;
	v22 =	vsub.f32 v22, v24;
	[tilespmem:s22], [sflag:$0x2] =	stream.indirect.gather [hbm4b:s2+s24], $0x80, s0, s24, $0xb8;
	[tilespmem:$0x18680] =	vst v63  }
0xd1: {  	v17 =	vsub.f32 v13, v17;
	v20 =	vmul.f32 v20, v20;
	v19 =	vmul.f32 v19, v19;
	_ =	swait.ge [sflag:s23], $0x4000  }
0xd2: {  	v15 =	vsub.f32 v15, v25;
	v21 =	vmul.f32 v21, v21;
	v22 =	vmul.f32 v22, v22;
	[sflag:s23] =	ssyncset.done $0x0  }
0xd3: {  	v14 =	vsub.f32 v9, v14;
	v18 =	vmul.f32 v18, v18;
	v13 =	vsub.f32 v13, v26;
	[sflag:s23] =	ssyncadd.s32 $0xFFFFC000  }
0xd4: {  	v19 =	vsub.f32 v20, v19;
	v15 =	vmul.f32 v15, v15;
	v20 =	vsub.f32 v21, v22;
	_ =	swait.ge [sflag:s23], $0x4000  }
0xd5: {  	v11 =	vsub.f32 v8, v11;
	v7 =	vsub.f32 v7, v10;
	v17 =	vmul.f32 v17, v17;
	[sflag:s23] =	ssyncset.done $0x0  }
0xd6: {  	v13 =	vmul.f32 v13, v13;
	v15 =	vsub.f32 v18, v15;
	v18 =	vadd.f32 v20, v19;
	[sflag:s23] =	ssyncadd.s32 $0xFFFFC000  }
0xd7: {  	v9 =	vsub.f32 v9, v27;
	v8 =	vsub.f32 v8, v29;
	_ =	swait.ge [sflag:s23], $0x4000  }
0xd8: {  	v14 =	vmul.f32 v14, v14;
	v13 =	vsub.f32 v17, v13;
	v15 =	vadd.f32 v15, v18;
	[sflag:s23] =	ssyncset.done $0x0  }
0xd9: {  	s28 =	simm.s32 $0x0;
	v6 =	vsub.f32 v5, v6;
	v10 =	vmul.f32 v11, v11;
	v8 =	vmul.f32 v8, v8;
	[sflag:s23] =	ssyncadd.s32 $0xFFFFC000  }
0xda: {  	v7 =	vmul.f32 v7, v7;
	v9 =	vmul.f32 v9, v9;
	v11 =	vadd.f32 v13, v15;
	v15 =	vld [tilespmem:s28+$0x70]  }
0xdb: {  	v5 =	vsub.f32 v5, v28;
	v8 =	vsub.f32 v10, v8;
	v10 =	vmul.f32 v12, v12;
	v17 =	vld [tilespmem:s28+$0x4070]  }
0xdc: {  	v6 =	vmul.f32 v6, v6;
	v9 =	vsub.f32 v14, v9;
	v13 =	vld [tilespmem:s28+$0x60]  }
0xdd: {  	v5 =	vmul.f32 v5, v5;
	v7 =	vsub.f32 v10, v7;
	v10 =	vperm.xlane v16, v0;
	v14 =	vld [tilespmem:s28+$0x8060]  }
0xde: {  	v18 =	vld [tilespmem:s28+$0x4050];
	v9 =	vadd.f32 v9, v11  }
0xdf: {  	v5 =	vsub.f32 v6, v5;
	v6 =	vadd.f32 v10, v16;
	v16 =	vld [tilespmem:s28+$0x4030]  }
0xe0: {  	v19 =	vld [tilespmem:s28+$0x20];
	v8 =	vadd.f32 v8, v9  }
0xe1: {  	v22 =	vld [tilespmem:s28+$0x4000]  }
0xe2: {  	v23 =	vld [tilespmem:s28+$0x8000];
	v7 =	vadd.f32 v7, v8  }
0xe3: {  	v51 =	vld [tilespmem:s28+$0x8010]  }
0xe4: {  	v10 =	vperm.xlane v6, v1;
	v52 =	vld [tilespmem:s28+$0x8020];
	v5 =	vadd.f32 v5, v7  }
0xe5: {  	v53 =	vld [tilespmem:s28+$0x8030]  }
0xe6: {  	v54 =	vld [tilespmem:s28+$0x4040];
	v6 =	vadd.f32 v10, v6;
	v12 =	vperm.xlane v5, v0  }
0xe7: {  	v56 =	vld [tilespmem:s28+$0x8070]  }
0xe8: {  	v10 =	vld [tilespmem:s28+$0x4020];
	v20 =	vperm.xlane v6, v2;
	v5 =	vadd.f32 v12, v5  }
0xe9: {  	v12 =	vld [tilespmem:s28+$0x0]  }
0xea: {  	v6 =	vadd.f32 v20, v6;
	v20 =	vld [tilespmem:s28+$0x10];
	v21 =	vperm.xlane v5, v1  }
0xeb: {  	v7 =	vld [tilespmem:s28+$0x30]  }
0xec: {  	v5 =	vadd.f32 v21, v5;
	v21 =	vld [tilespmem:s28+$0x4010]  }
0xed: {  	v11 =	vld [tilespmem:s28+$0x50];
	v10 =	vsub.f32 v19, v10;
	v49 =	vperm.xlane v6, v3  }
0xee: {  	v8 =	vld [tilespmem:s28+$0x40];
	v19 =	vsub.f32 v19, v52;
	v22 =	vsub.f32 v12, v22  }
0xef: {  	v24 =	vadd.f32 v49, v6;
	v12 =	vsub.f32 v12, v23;
	v23 =	vld [tilespmem:s28+$0x8040]  }
0xf0: {  	s26 =	simm.s32 $0x80;
	v9 =	vld [tilespmem:s28+$0x4060];
	v16 =	vsub.f32 v7, v16;
	v50 =	vperm.xlane v5, v2;
	v22 =	vmul.f32 v22, v22  }
0xf1: {  	v6 =	vld [tilespmem:s26+$0x4070];
	v12 =	vmul.f32 v12, v12;
	v21 =	vsub.f32 v20, v21;
	v20 =	vsub.f32 v20, v51  }
0xf2: {  	v10 =	vmul.f32 v10, v10;
	v55 =	vsub.f32 v7, v53;
	v25 =	vadd.f32 v50, v5;
	v5 =	vld [tilespmem:s26+$0x70]  }
0xf3: {  	v7 =	vmul.f32 v21, v21;
	v20 =	vmul.f32 v20, v20;
	v21 =	vsub.f32 v22, v12;
	v22 =	vld [tilespmem:s28+$0x8050]  }
0xf4: {  	v58 =	vsub.f32 v8, v54;
	v23 =	vsub.f32 v8, v23;
	v8 =	vld [tilespmem:s26+$0x50];
	v12 =	vmul.f32 v19, v19  }
0xf5: {  	v61 =	vsub.f32 v15, v56;
	v20 =	vsub.f32 v7, v20;
	v7 =	vld [tilespmem:s26+$0x60]  }
0xf6: {  	v57 =	vsub.f32 v13, v9;
	v9 =	vsub.f32 v10, v12;
	v12 =	vld [tilespmem:s26+$0x4060]  }
0xf7: {  	v16 =	vmul.f32 v16, v16;
	v10 =	vld [tilespmem:s26+$0x8060];
	v20 =	vadd.f32 v20, v21;
	v21 =	vmul.f32 v55, v55  }
0xf8: {  	v18 =	vsub.f32 v11, v18;
	v59 =	vmul.f32 v58, v58;
	v22 =	vsub.f32 v11, v22;
	v11 =	vld [tilespmem:s26+$0x4050]  }
0xf9: {  	v23 =	vmul.f32 v23, v23;
	v20 =	vadd.f32 v9, v20;
	v9 =	vld [tilespmem:s26+$0x40];
	v16 =	vsub.f32 v16, v21  }
0xfa: {  	v18 =	vmul.f32 v18, v18;
	v60 =	vperm.xlane v25, v3;
	v21 =	vsub.f32 v13, v14;
	v14 =	vld [tilespmem:s26+$0x4040]  }
0xfb: {  	v23 =	vsub.f32 v59, v23;
	v13 =	vld [tilespmem:s26+$0x30];
	v22 =	vmul.f32 v22, v22;
	v16 =	vadd.f32 v16, v20  }
0xfc: {  	v19 =	vadd.f32 $5.000000000e-01, v24;
	v24 =	vmul.f32 v57, v57;
	v20 =	vsub.f32 v15, v17;
	v17 =	vld [tilespmem:s26+$0x4030]  }
0xfd: {  	v15 =	vld [tilespmem:s26+$0x20];
	v21 =	vmul.f32 v21, v21;
	v22 =	vsub.f32 v18, v22;
	v16 =	vadd.f32 v23, v16  }
0xfe: {  	v26 =	vmul.f32 v61, v61;
	v25 =	vadd.f32 v60, v25;
	v18 =	vld [tilespmem:s26+$0x4020];
	v23 =	vmax.f32 v19, $0.0e+00  }
0xff: {  	v62 =	vmul.f32 v20, v20;
	v19 =	vld [tilespmem:s26+$0x0];
	v16 =	vadd.f32 v22, v16;
	v22 =	vsub.f32 v24, v21  }
0x100: {  	v20 =	vld [tilespmem:s26+$0x4000];
	v4 =	vadd.f32 v23, v4;
	v23 =	vadd.f32 $5.000000000e-01, v25  }
0x101: {  	v21 =	vld [tilespmem:s26+$0x8000];
	v63 =	vsub.f32 v62, v26;
	v16 =	vadd.f32 v22, v16  }
0x102: {  	v23 =	vmax.f32 v23, $0.0e+00;
	v22 =	vld [tilespmem:s26+$0x10]  }
0x103: {  	s28 =	simm.s32 $0x400;
	v4 =	vadd.f32 v23, v4;
	v23 =	vld [tilespmem:s26+$0x4010];
	v16 =	vadd.f32 v63, v16  }
.LBB2_6:
0x104: {  	p0 =	sne.s32 s28, $0xFE00;
	v24 =	vld [tilespmem:s26+$0x8010];
	v25 =	vsub.f32 v7, v12;
	v26 =	vsub.f32 v5, v6  }
0x105: {  	s30 =	sshra.s32 s28, $0x2;
	v27 =	vsub.f32 v8, v11;
	v28 =	vsub.f32 v7, v10;
	v12 =	vld [tilespmem:s26+$0x8020];
	v6 =	vperm.xlane v16, v0  }
0x106: {  	v11 =	vsub.f32 v13, v17;
	v14 =	vsub.f32 v9, v14;
	v29 =	vld [tilespmem:s30+$0x70]  }
0x107: {  	v10 =	vsub.f32 v15, v18;
	v17 =	vld [tilespmem:s26+$0x8030];
	v7 =	vadd.f32 v6, v16  }
0x108: {  	v18 =	vsub.f32 v19, v21;
	v16 =	vsub.f32 v19, v20;
	v6 =	vld [tilespmem:s30+$0x4070]  }
0x109: {  	v19 =	vsub.f32 v22, v23;
	v20 =	vsub.f32 v22, v24;
	v21 =	vld [tilespmem:s26+$0x8040];
	v22 =	vperm.xlane v7, v1  }
0x10a: {  	v18 =	vmul.f32 v18, v18;
	v16 =	vmul.f32 v16, v16;
	v12 =	vsub.f32 v15, v12;
	v15 =	vld [tilespmem:s26+$0x8070]  }
0x10b: {  	v19 =	vmul.f32 v19, v19;
	v20 =	vmul.f32 v20, v20;
	v23 =	vld [tilespmem:s26+$0x8050];
	v22 =	vadd.f32 v22, v7;
	s26 =	smov.u32 s30  }
0x10c: {  	v24 =	vmul.f32 v10, v10;
	v7 =	vld [tilespmem:s26+$0x60];
	v30 =	vmul.f32 v12, v12;
	v13 =	vsub.f32 v13, v17  }
0x10d: {  	v16 =	vsub.f32 v16, v18;
	v12 =	vld [tilespmem:s26+$0x4060];
	v17 =	vsub.f32 v19, v20;
	v18 =	vperm.xlane v22, v2  }
0x10e: {  	v20 =	vmul.f32 v11, v11;
	v10 =	vld [tilespmem:s26+$0x8060];
	v19 =	vsub.f32 v24, v30;
	v9 =	vsub.f32 v9, v21  }
0x10f: {  	v13 =	vmul.f32 v13, v13;
	v21 =	vld [tilespmem:s26+$0x50];
	v16 =	vadd.f32 v17, v16;
	v17 =	vadd.f32 v18, v22  }
0x110: {  	v18 =	vmul.f32 v14, v14;
	v11 =	vld [tilespmem:s26+$0x4050];
	v22 =	vmul.f32 v9, v9;
	v8 =	vsub.f32 v8, v23  }
0x111: {  	v9 =	vld [tilespmem:s26+$0x40];
	v16 =	vadd.f32 v19, v16;
	v19 =	vsub.f32 v20, v13;
	v20 =	vperm.xlane v17, v3  }
0x112: {  	v14 =	vld [tilespmem:s26+$0x4040];
	v18 =	vsub.f32 v18, v22;
	v22 =	vmul.f32 v27, v27;
	v27 =	vmul.f32 v8, v8  }
0x113: {  	v13 =	vld [tilespmem:s26+$0x30];
	v16 =	vadd.f32 v19, v16;
	v19 =	vadd.f32 v20, v17  }
0x114: {  	v23 =	vsub.f32 v5, v15;
	v5 =	vmovc v29;
	v17 =	vld [tilespmem:s26+$0x4030];
	v20 =	vsub.f32 v22, v27;
	v22 =	vmul.f32 v25, v25  }
0x115: {  	v24 =	vmul.f32 v28, v28;
	v8 =	vmovc v21;
	v15 =	vld [tilespmem:s26+$0x20];
	v16 =	vadd.f32 v18, v16;
	v25 =	vadd.f32 $5.000000000e-01, v19  }
0x116: {  	v26 =	vmul.f32 v26, v26;
	v23 =	vmul.f32 v23, v23;
	v18 =	vld [tilespmem:s26+$0x4020]  }
.Ltmp2:
0x117: {  	v22 =	vsub.f32 v22, v24;
	v19 =	vld [tilespmem:s26+$0x0];
	v16 =	vadd.f32 v20, v16;
	v21 =	vmax.f32 v25, $0.0e+00;
	(pc) =	sbr.rel @p0 .LBB2_6-.Ltmp2, $4  }
0x118: {  	v20 =	vld [tilespmem:s26+$0x4000];
	v4 =	vadd.f32 v21, v4  }
0x119: {  	v24 =	vsub.f32 v26, v23;
	v21 =	vld [tilespmem:s26+$0x8000];
	v16 =	vadd.f32 v22, v16  }
0x11a: {  	v22 =	vld [tilespmem:s26+$0x10]  }
0x11b: {  	s28 =	sadd.s32 $0x200, s28;
	v23 =	vld [tilespmem:s26+$0x4010];
	v16 =	vadd.f32 v24, v16  }
0x11c: {  	v24 =	vld [tilespmem:s26+$0x8010]  }
0x11d: {  	v25 =	vld [tilespmem:s26+$0x8020]  }
0x11e: {  	v26 =	vld [tilespmem:s26+$0x8030]  }
0x11f: {  	v27 =	vld [tilespmem:s26+$0x8040]  }
0x120: {  	v28 =	vld [tilespmem:s26+$0x8070];
	s30 =	simm.s32 $0x0  }
0x121: {  	v29 =	vld [tilespmem:s26+$0x8050];
	[tilespmem:s30], [sflag:$0x1] =	stream.indirect.gather [hbm4b:s2+s24], $0x80, s1, s24, $0xb8  }
0x122: {  	_ = 	snop  }
0x123: {  	v12 =	vsub.f32 v7, v12;
	v18 =	vsub.f32 v15, v18;
	[tilespmem:s11], [sflag:$0x1] =	stream.indirect.gather [hbm4b:s2+s24], $0x80, s14, s24, $0xb8;
	[tilespmem:$0x18680] =	vst v63  }
0x124: {  	v20 =	vsub.f32 v19, v20;
	v19 =	vsub.f32 v19, v21  }
0x125: {  	v21 =	vsub.f32 v22, v23;
	v22 =	vsub.f32 v22, v24;
	[tilespmem:s12], [sflag:$0x1] =	stream.indirect.gather [hbm4b:s2+s24], $0x80, s16, s24, $0xb8;
	[tilespmem:$0x18680] =	vst v63  }
0x126: {  	v17 =	vsub.f32 v13, v17;
	v20 =	vmul.f32 v20, v20;
	v19 =	vmul.f32 v19, v19;
	_ =	swait.ge [sflag:s29], $0x4000  }
0x127: {  	v15 =	vsub.f32 v15, v25;
	v21 =	vmul.f32 v21, v21;
	v22 =	vmul.f32 v22, v22;
	[sflag:s29] =	ssyncset.done $0x0  }
0x128: {  	v14 =	vsub.f32 v9, v14;
	v18 =	vmul.f32 v18, v18;
	v13 =	vsub.f32 v13, v26;
	[sflag:s29] =	ssyncadd.s32 $0xFFFFC000  }
0x129: {  	v19 =	vsub.f32 v20, v19;
	v15 =	vmul.f32 v15, v15;
	v20 =	vsub.f32 v21, v22;
	_ =	swait.ge [sflag:s29], $0x4000  }
0x12a: {  	v11 =	vsub.f32 v8, v11;
	v7 =	vsub.f32 v7, v10;
	v17 =	vmul.f32 v17, v17;
	[sflag:s29] =	ssyncset.done $0x0  }
0x12b: {  	v13 =	vmul.f32 v13, v13;
	v15 =	vsub.f32 v18, v15;
	v18 =	vadd.f32 v20, v19;
	[sflag:s29] =	ssyncadd.s32 $0xFFFFC000  }
0x12c: {  	v9 =	vsub.f32 v9, v27;
	v8 =	vsub.f32 v8, v29;
	_ =	swait.ge [sflag:s29], $0x4000  }
0x12d: {  	v14 =	vmul.f32 v14, v14;
	v13 =	vsub.f32 v17, v13;
	v15 =	vadd.f32 v15, v18;
	[sflag:s29] =	ssyncset.done $0x0  }
0x12e: {  	s28 =	simm.s32 $0x0;
	v6 =	vsub.f32 v5, v6;
	v10 =	vmul.f32 v11, v11;
	v8 =	vmul.f32 v8, v8;
	[sflag:s29] =	ssyncadd.s32 $0xFFFFC000  }
0x12f: {  	v7 =	vmul.f32 v7, v7;
	v9 =	vmul.f32 v9, v9;
	v11 =	vadd.f32 v13, v15;
	v15 =	vld [tilespmem:s28+$0xC070]  }
0x130: {  	v5 =	vsub.f32 v5, v28;
	v8 =	vsub.f32 v10, v8;
	v10 =	vmul.f32 v12, v12;
	v17 =	vld [tilespmem:s28+$0x10070]  }
0x131: {  	v6 =	vmul.f32 v6, v6;
	v9 =	vsub.f32 v14, v9;
	v12 =	vld [tilespmem:s28+$0xC060]  }
0x132: {  	v5 =	vmul.f32 v5, v5;
	v7 =	vsub.f32 v10, v7;
	v10 =	vperm.xlane v16, v0;
	v14 =	vld [tilespmem:s28+$0x14060]  }
0x133: {  	v18 =	vld [tilespmem:s28+$0x10050];
	v9 =	vadd.f32 v9, v11  }
0x134: {  	v5 =	vsub.f32 v6, v5;
	v6 =	vadd.f32 v10, v16;
	v16 =	vld [tilespmem:s28+$0x10030]  }
0x135: {  	v19 =	vld [tilespmem:s28+$0xC020];
	v8 =	vadd.f32 v8, v9  }
0x136: {  	v22 =	vld [tilespmem:s28+$0x10000]  }
0x137: {  	v23 =	vld [tilespmem:s28+$0x14000];
	v7 =	vadd.f32 v7, v8  }
0x138: {  	v52 =	vld [tilespmem:s28+$0x14010]  }
0x139: {  	v10 =	vperm.xlane v6, v1;
	v53 =	vld [tilespmem:s28+$0x14020];
	v5 =	vadd.f32 v5, v7  }
0x13a: {  	v54 =	vld [tilespmem:s28+$0x14030]  }
0x13b: {  	v55 =	vld [tilespmem:s28+$0x10040];
	v6 =	vadd.f32 v10, v6;
	v13 =	vperm.xlane v5, v0  }
0x13c: {  	v57 =	vld [tilespmem:s28+$0x14070]  }
0x13d: {  	v10 =	vld [tilespmem:s28+$0x10020];
	v20 =	vperm.xlane v6, v2;
	v5 =	vadd.f32 v13, v5  }
0x13e: {  	v13 =	vld [tilespmem:s28+$0xC000]  }
0x13f: {  	v6 =	vadd.f32 v20, v6;
	v20 =	vld [tilespmem:s28+$0xC010];
	v21 =	vperm.xlane v5, v1  }
0x140: {  	v7 =	vld [tilespmem:s28+$0xC030]  }
0x141: {  	v5 =	vadd.f32 v21, v5;
	v21 =	vld [tilespmem:s28+$0x10010]  }
0x142: {  	v11 =	vld [tilespmem:s28+$0xC050];
	v10 =	vsub.f32 v19, v10;
	v50 =	vperm.xlane v6, v3  }
0x143: {  	v8 =	vld [tilespmem:s28+$0xC040];
	v19 =	vsub.f32 v19, v53;
	v22 =	vsub.f32 v13, v22  }
0x144: {  	v24 =	vadd.f32 v50, v6;
	v13 =	vsub.f32 v13, v23;
	v23 =	vld [tilespmem:s28+$0x14040]  }
0x145: {  	s26 =	simm.s32 $0x80;
	v9 =	vld [tilespmem:s28+$0x10060];
	v16 =	vsub.f32 v7, v16;
	v51 =	vperm.xlane v5, v2;
	v22 =	vmul.f32 v22, v22  }
0x146: {  	v6 =	vld [tilespmem:s26+$0x10070];
	v13 =	vmul.f32 v13, v13;
	v21 =	vsub.f32 v20, v21;
	v20 =	vsub.f32 v20, v52  }
0x147: {  	v10 =	vmul.f32 v10, v10;
	v56 =	vsub.f32 v7, v54;
	v25 =	vadd.f32 v51, v5;
	v5 =	vld [tilespmem:s26+$0xC070]  }
0x148: {  	v7 =	vmul.f32 v21, v21;
	v20 =	vmul.f32 v20, v20;
	v21 =	vsub.f32 v22, v13;
	v22 =	vld [tilespmem:s28+$0x14050]  }
0x149: {  	v59 =	vsub.f32 v8, v55;
	v23 =	vsub.f32 v8, v23;
	v8 =	vld [tilespmem:s26+$0xC050];
	v13 =	vmul.f32 v19, v19  }
0x14a: {  	v18 =	vsub.f32 v11, v18;
	v20 =	vsub.f32 v7, v20;
	v7 =	vld [tilespmem:s26+$0xC060]  }
0x14b: {  	v58 =	vsub.f32 v12, v9;
	v9 =	vsub.f32 v10, v13;
	v13 =	vld [tilespmem:s26+$0x10060]  }
0x14c: {  	v16 =	vmul.f32 v16, v16;
	v10 =	vld [tilespmem:s26+$0x14060];
	v20 =	vadd.f32 v20, v21;
	v21 =	vmul.f32 v56, v56  }
0x14d: {  	v18 =	vmul.f32 v18, v18;
	v60 =	vmul.f32 v59, v59;
	v22 =	vsub.f32 v11, v22;
	v11 =	vld [tilespmem:s26+$0x10050]  }
0x14e: {  	v23 =	vmul.f32 v23, v23;
	v20 =	vadd.f32 v9, v20;
	v9 =	vld [tilespmem:s26+$0xC040];
	v16 =	vsub.f32 v16, v21  }
0x14f: {  	v19 =	vadd.f32 $5.000000000e-01, v24;
	v21 =	vsub.f32 v12, v14;
	v14 =	vld [tilespmem:s26+$0x10040];
	v22 =	vmul.f32 v22, v22  }
0x150: {  	v61 =	vperm.xlane v25, v3;
	v23 =	vsub.f32 v60, v23;
	v12 =	vld [tilespmem:s26+$0xC030];
	v16 =	vadd.f32 v16, v20  }
0x151: {  	v24 =	vmul.f32 v58, v58;
	v20 =	vsub.f32 v15, v17;
	v17 =	vld [tilespmem:s26+$0x10030];
	v22 =	vsub.f32 v18, v22  }
0x152: {  	v21 =	vmul.f32 v21, v21;
	v18 =	vsub.f32 v15, v57;
	v15 =	vld [tilespmem:s26+$0xC020];
	v16 =	vadd.f32 v23, v16  }
0x153: {  	v25 =	vadd.f32 v61, v25;
	v23 =	vmax.f32 v19, $0.0e+00;
	v19 =	vld [tilespmem:s26+$0x10020];
	v62 =	vmul.f32 v20, v20  }
0x154: {  	v20 =	vld [tilespmem:s26+$0x10000];
	v27 =	vmul.f32 v18, v18;
	v16 =	vadd.f32 v22, v16;
	v22 =	vsub.f32 v24, v21  }
0x155: {  	v18 =	vld [tilespmem:s26+$0xC000];
	v4 =	vadd.f32 v23, v4;
	v23 =	vadd.f32 $5.000000000e-01, v25  }
0x156: {  	v21 =	vld [tilespmem:s26+$0x14000];
	v63 =	vsub.f32 v62, v27;
	v16 =	vadd.f32 v22, v16  }
0x157: {  	v23 =	vmax.f32 v23, $0.0e+00;
	v22 =	vld [tilespmem:s26+$0xC010]  }
0x158: {  	s28 =	simm.s32 $0x400;
	v4 =	vadd.f32 v23, v4;
	v23 =	vld [tilespmem:s26+$0x10010];
	v16 =	vadd.f32 v63, v16  }
.LBB2_8:
0x159: {  	p0 =	sne.s32 s28, $0xFE00;
	v24 =	vld [tilespmem:s26+$0x14010];
	v25 =	vsub.f32 v7, v13;
	v26 =	vsub.f32 v5, v6  }
0x15a: {  	s30 =	sshra.s32 s28, $0x2;
	v27 =	vsub.f32 v8, v11;
	v28 =	vsub.f32 v7, v10;
	v13 =	vld [tilespmem:s26+$0x14020];
	v6 =	vperm.xlane v16, v0  }
0x15b: {  	v11 =	vsub.f32 v12, v17;
	v14 =	vsub.f32 v9, v14;
	v29 =	vld [tilespmem:s30+$0xC070]  }
0x15c: {  	v10 =	vsub.f32 v15, v19;
	v17 =	vld [tilespmem:s26+$0x14030];
	v7 =	vadd.f32 v6, v16  }
0x15d: {  	v16 =	vsub.f32 v18, v20;
	v18 =	vsub.f32 v18, v21;
	v6 =	vld [tilespmem:s30+$0x10070]  }
0x15e: {  	v19 =	vsub.f32 v22, v23;
	v20 =	vsub.f32 v22, v24;
	v21 =	vld [tilespmem:s26+$0x14040];
	v22 =	vperm.xlane v7, v1  }
0x15f: {  	v16 =	vmul.f32 v16, v16;
	v18 =	vmul.f32 v18, v18;
	v13 =	vsub.f32 v15, v13;
	v15 =	vld [tilespmem:s26+$0x14070]  }
0x160: {  	v19 =	vmul.f32 v19, v19;
	v20 =	vmul.f32 v20, v20;
	v23 =	vld [tilespmem:s26+$0x14050];
	v22 =	vadd.f32 v22, v7;
	s26 =	smov.u32 s30  }
0x161: {  	v24 =	vmul.f32 v10, v10;
	v7 =	vld [tilespmem:s26+$0xC060];
	v30 =	vmul.f32 v13, v13;
	v12 =	vsub.f32 v12, v17  }
0x162: {  	v16 =	vsub.f32 v16, v18;
	v13 =	vld [tilespmem:s26+$0x10060];
	v17 =	vsub.f32 v19, v20;
	v18 =	vperm.xlane v22, v2  }
0x163: {  	v20 =	vmul.f32 v11, v11;
	v10 =	vld [tilespmem:s26+$0x14060];
	v19 =	vsub.f32 v24, v30;
	v9 =	vsub.f32 v9, v21  }
0x164: {  	v12 =	vmul.f32 v12, v12;
	v21 =	vld [tilespmem:s26+$0xC050];
	v16 =	vadd.f32 v17, v16;
	v17 =	vadd.f32 v18, v22  }
0x165: {  	v18 =	vmul.f32 v14, v14;
	v11 =	vld [tilespmem:s26+$0x10050];
	v22 =	vmul.f32 v9, v9;
	v8 =	vsub.f32 v8, v23  }
0x166: {  	v9 =	vld [tilespmem:s26+$0xC040];
	v16 =	vadd.f32 v19, v16;
	v19 =	vsub.f32 v20, v12;
	v20 =	vperm.xlane v17, v3  }
0x167: {  	v14 =	vld [tilespmem:s26+$0x10040];
	v18 =	vsub.f32 v18, v22;
	v22 =	vmul.f32 v27, v27;
	v27 =	vmul.f32 v8, v8  }
0x168: {  	v12 =	vld [tilespmem:s26+$0xC030];
	v16 =	vadd.f32 v19, v16;
	v19 =	vadd.f32 v20, v17  }
0x169: {  	v23 =	vsub.f32 v5, v15;
	v5 =	vmovc v29;
	v17 =	vld [tilespmem:s26+$0x10030];
	v20 =	vsub.f32 v22, v27;
	v22 =	vmul.f32 v25, v25  }
0x16a: {  	v24 =	vmul.f32 v28, v28;
	v8 =	vmovc v21;
	v15 =	vld [tilespmem:s26+$0xC020];
	v16 =	vadd.f32 v18, v16;
	v25 =	vadd.f32 $5.000000000e-01, v19  }
0x16b: {  	v26 =	vmul.f32 v26, v26;
	v23 =	vmul.f32 v23, v23;
	v19 =	vld [tilespmem:s26+$0x10020]  }
.Ltmp3:
0x16c: {  	v22 =	vsub.f32 v22, v24;
	v18 =	vld [tilespmem:s26+$0xC000];
	v16 =	vadd.f32 v20, v16;
	v21 =	vmax.f32 v25, $0.0e+00;
	(pc) =	sbr.rel @p0 .LBB2_8-.Ltmp3, $4  }
0x16d: {  	v20 =	vld [tilespmem:s26+$0x10000];
	v4 =	vadd.f32 v21, v4  }
0x16e: {  	v24 =	vsub.f32 v26, v23;
	v21 =	vld [tilespmem:s26+$0x14000];
	v16 =	vadd.f32 v22, v16  }
0x16f: {  	v22 =	vld [tilespmem:s26+$0xC010]  }
0x170: {  	s28 =	sadd.s32 $0x200, s28;
	v23 =	vld [tilespmem:s26+$0x10010];
	v16 =	vadd.f32 v24, v16  }
0x171: {  	v24 =	vld [tilespmem:s26+$0x14010]  }
0x172: {  	v25 =	vld [tilespmem:s26+$0x14020]  }
0x173: {  	v26 =	vld [tilespmem:s26+$0x14030]  }
0x174: {  	v52 =	vld [tilespmem:s26+$0x14070]  }
0x175: {  	v13 =	vsub.f32 v7, v13;
	v19 =	vsub.f32 v15, v19;
	v53 =	vld [tilespmem:s26+$0x14050]  }
0x176: {  	v20 =	vsub.f32 v18, v20;
	v18 =	vsub.f32 v18, v21;
	v21 =	vld [tilespmem:s26+$0x14040];
	_ =	swait.ge [sflag:s23], $0x4000  }
0x177: {  	[sflag:s23] =	ssyncset.done $0x0;
	v23 =	vsub.f32 v22, v23;
	v22 =	vsub.f32 v22, v24  }
0x178: {  	v17 =	vsub.f32 v12, v17;
	v20 =	vmul.f32 v20, v20;
	v18 =	vmul.f32 v18, v18;
	[sflag:s23] =	ssyncadd.s32 $0xFFFFC000  }
0x179: {  	v15 =	vsub.f32 v15, v25;
	_ =	swait.ge [sflag:s23], $0x4000;
	v23 =	vmul.f32 v23, v23;
	v22 =	vmul.f32 v22, v22  }
0x17a: {  	v14 =	vsub.f32 v9, v14;
	v19 =	vmul.f32 v19, v19;
	v12 =	vsub.f32 v12, v26;
	[sflag:s23] =	ssyncset.done $0x0  }
0x17b: {  	v18 =	vsub.f32 v20, v18;
	v15 =	vmul.f32 v15, v15;
	[sflag:s23] =	ssyncadd.s32 $0xFFFFC000;
	v20 =	vsub.f32 v23, v22  }
0x17c: {  	v11 =	vsub.f32 v8, v11;
	v17 =	vmul.f32 v17, v17;
	v9 =	vsub.f32 v9, v21;
	_ =	swait.ge [sflag:s23], $0x4000  }
0x17d: {  	v12 =	vmul.f32 v12, v12;
	v15 =	vsub.f32 v19, v15;
	[sflag:s23] =	ssyncset.done $0x0;
	v18 =	vadd.f32 v20, v18  }
0x17e: {  	s28 =	simm.s32 $0x0;
	v14 =	vmul.f32 v14, v14;
	v8 =	vsub.f32 v8, v53;
	v9 =	vmul.f32 v9, v9;
	[sflag:s23] =	ssyncadd.s32 $0xFFFFC000  }
0x17f: {  	v12 =	vsub.f32 v17, v12;
	v17 =	vld [tilespmem:s28+$0x4070];
	v15 =	vadd.f32 v15, v18  }
0x180: {  	v7 =	vsub.f32 v7, v10;
	v9 =	vsub.f32 v14, v9;
	v14 =	vld [tilespmem:s28+$0x8060]  }
0x181: {  	v10 =	vmul.f32 v11, v11;
	v8 =	vmul.f32 v8, v8;
	v19 =	vld [tilespmem:s28+$0x20];
	v11 =	vadd.f32 v12, v15  }
0x182: {  	v6 =	vsub.f32 v5, v6;
	v7 =	vmul.f32 v7, v7;
	v5 =	vsub.f32 v5, v52;
	v22 =	vld [tilespmem:s28+$0x4000]  }
0x183: {  	v8 =	vsub.f32 v10, v8;
	v10 =	vmul.f32 v13, v13;
	v23 =	vld [tilespmem:s28+$0x8000];
	v9 =	vadd.f32 v9, v11  }
0x184: {  	v6 =	vmul.f32 v6, v6;
	v5 =	vmul.f32 v5, v5;
	v56 =	vld [tilespmem:s28+$0x8010]  }
0x185: {  	v7 =	vsub.f32 v10, v7;
	v10 =	vperm.xlane v16, v0;
	v27 =	vld [tilespmem:s28+$0x8020];
	v8 =	vadd.f32 v8, v9  }
0x186: {  	v5 =	vsub.f32 v6, v5;
	v28 =	vld [tilespmem:s28+$0x8030]  }
0x187: {  	v29 =	vld [tilespmem:s28+$0x4040];
	v6 =	vadd.f32 v10, v16;
	v7 =	vadd.f32 v7, v8  }
0x188: {  	v58 =	vld [tilespmem:s28+$0x8070]  }
0x189: {  	v18 =	vld [tilespmem:s28+$0x4050];
	v10 =	vperm.xlane v6, v1;
	v5 =	vadd.f32 v5, v7  }
0x18a: {  	v16 =	vld [tilespmem:s28+$0x4030]  }
0x18b: {  	v15 =	vld [tilespmem:s28+$0x70];
	v6 =	vadd.f32 v10, v6;
	v13 =	vperm.xlane v5, v0  }
0x18c: {  	v12 =	vld [tilespmem:s28+$0x60]  }
0x18d: {  	v10 =	vld [tilespmem:s28+$0x4020];
	v20 =	vperm.xlane v6, v2;
	v5 =	vadd.f32 v13, v5  }
0x18e: {  	v13 =	vld [tilespmem:s28+$0x0]  }
0x18f: {  	v6 =	vadd.f32 v20, v6;
	v20 =	vld [tilespmem:s28+$0x10];
	v21 =	vperm.xlane v5, v1  }
0x190: {  	v7 =	vld [tilespmem:s28+$0x30]  }
0x191: {  	v5 =	vadd.f32 v21, v5;
	v21 =	vld [tilespmem:s28+$0x4010]  }
0x192: {  	v11 =	vld [tilespmem:s28+$0x50];
	v10 =	vsub.f32 v19, v10;
	v54 =	vperm.xlane v6, v3  }
0x193: {  	v8 =	vld [tilespmem:s28+$0x40];
	v19 =	vsub.f32 v19, v27;
	v22 =	vsub.f32 v13, v22  }
0x194: {  	v24 =	vadd.f32 v54, v6;
	v13 =	vsub.f32 v13, v23;
	v23 =	vld [tilespmem:s28+$0x8040]  }
0x195: {  	s26 =	simm.s32 $0x80;
	v9 =	vld [tilespmem:s28+$0x4060];
	v16 =	vsub.f32 v7, v16;
	v55 =	vperm.xlane v5, v2;
	v22 =	vmul.f32 v22, v22  }
0x196: {  	v6 =	vld [tilespmem:s26+$0x4070];
	v13 =	vmul.f32 v13, v13;
	v21 =	vsub.f32 v20, v21;
	v20 =	vsub.f32 v20, v56  }
0x197: {  	v10 =	vmul.f32 v10, v10;
	v57 =	vsub.f32 v7, v28;
	v25 =	vadd.f32 v55, v5;
	v5 =	vld [tilespmem:s26+$0x70]  }
0x198: {  	v7 =	vmul.f32 v21, v21;
	v20 =	vmul.f32 v20, v20;
	v21 =	vsub.f32 v22, v13;
	v22 =	vld [tilespmem:s28+$0x8050]  }
0x199: {  	v60 =	vsub.f32 v8, v29;
	v23 =	vsub.f32 v8, v23;
	v8 =	vld [tilespmem:s26+$0x50];
	v13 =	vmul.f32 v19, v19  }
0x19a: {  	v17 =	vsub.f32 v15, v17;
	v20 =	vsub.f32 v7, v20;
	v7 =	vld [tilespmem:s26+$0x60]  }
0x19b: {  	v59 =	vsub.f32 v12, v9;
	v9 =	vsub.f32 v10, v13;
	v13 =	vld [tilespmem:s26+$0x4060]  }
0x19c: {  	v16 =	vmul.f32 v16, v16;
	v10 =	vld [tilespmem:s26+$0x8060];
	v20 =	vadd.f32 v20, v21;
	v21 =	vmul.f32 v57, v57  }
0x19d: {  	v18 =	vsub.f32 v11, v18;
	v61 =	vmul.f32 v60, v60;
	v22 =	vsub.f32 v11, v22;
	v11 =	vld [tilespmem:s26+$0x4050]  }
0x19e: {  	v23 =	vmul.f32 v23, v23;
	v20 =	vadd.f32 v9, v20;
	v9 =	vld [tilespmem:s26+$0x40];
	v16 =	vsub.f32 v16, v21  }
0x19f: {  	v18 =	vmul.f32 v18, v18;
	v21 =	vsub.f32 v12, v14;
	v14 =	vld [tilespmem:s26+$0x4040];
	v22 =	vmul.f32 v22, v22  }
0x1a0: {  	v62 =	vperm.xlane v25, v3;
	v23 =	vsub.f32 v61, v23;
	v12 =	vld [tilespmem:s26+$0x30];
	v20 =	vadd.f32 v16, v20  }
0x1a1: {  	v19 =	vadd.f32 $5.000000000e-01, v24;
	v24 =	vmul.f32 v59, v59;
	v16 =	vld [tilespmem:s26+$0x4030];
	v22 =	vsub.f32 v18, v22  }
0x1a2: {  	v21 =	vmul.f32 v21, v21;
	v18 =	vsub.f32 v15, v58;
	v15 =	vld [tilespmem:s26+$0x20];
	v20 =	vadd.f32 v23, v20  }
0x1a3: {  	v17 =	vmul.f32 v17, v17;
	v25 =	vadd.f32 v62, v25;
	v23 =	vmax.f32 v19, $0.0e+00;
	v19 =	vld [tilespmem:s26+$0x4020]  }
0x1a4: {  	v24 =	vsub.f32 v24, v21;
	v21 =	vld [tilespmem:s26+$0x8000];
	v63 =	vmul.f32 v18, v18;
	v22 =	vadd.f32 v22, v20  }
0x1a5: {  	v18 =	vld [tilespmem:s26+$0x0];
	v4 =	vadd.f32 v23, v4;
	v23 =	vadd.f32 $5.000000000e-01, v25  }
0x1a6: {  	v20 =	vld [tilespmem:s26+$0x4000];
	v17 =	vsub.f32 v17, v63;
	v24 =	vadd.f32 v24, v22  }
0x1a7: {  	v23 =	vmax.f32 v23, $0.0e+00;
	v22 =	vld [tilespmem:s26+$0x10]  }
0x1a8: {  	s28 =	simm.s32 $0x400;
	v4 =	vadd.f32 v23, v4;
	v23 =	vld [tilespmem:s26+$0x4010];
	v17 =	vadd.f32 v17, v24  }
.LBB2_10:
0x1a9: {  	p0 =	sne.s32 s28, $0xFE00;
	v24 =	vld [tilespmem:s26+$0x8010];
	v25 =	vsub.f32 v7, v13;
	v26 =	vsub.f32 v5, v6  }
0x1aa: {  	s30 =	sshra.s32 s28, $0x2;
	v27 =	vsub.f32 v8, v11;
	v28 =	vsub.f32 v7, v10;
	v13 =	vld [tilespmem:s26+$0x8020];
	v6 =	vperm.xlane v17, v0  }
0x1ab: {  	v11 =	vsub.f32 v12, v16;
	v14 =	vsub.f32 v9, v14;
	v29 =	vld [tilespmem:s30+$0x70]  }
0x1ac: {  	v10 =	vsub.f32 v15, v19;
	v16 =	vld [tilespmem:s26+$0x8030];
	v7 =	vadd.f32 v6, v17  }
0x1ad: {  	v17 =	vsub.f32 v18, v20;
	v18 =	vsub.f32 v18, v21;
	v6 =	vld [tilespmem:s30+$0x4070]  }
0x1ae: {  	v19 =	vsub.f32 v22, v23;
	v20 =	vsub.f32 v22, v24;
	v21 =	vld [tilespmem:s26+$0x8040];
	v22 =	vperm.xlane v7, v1  }
0x1af: {  	v17 =	vmul.f32 v17, v17;
	v18 =	vmul.f32 v18, v18;
	v13 =	vsub.f32 v15, v13;
	v15 =	vld [tilespmem:s26+$0x8070]  }
0x1b0: {  	v19 =	vmul.f32 v19, v19;
	v20 =	vmul.f32 v20, v20;
	v23 =	vld [tilespmem:s26+$0x8050];
	v22 =	vadd.f32 v22, v7;
	s26 =	smov.u32 s30  }
0x1b1: {  	v24 =	vmul.f32 v10, v10;
	v7 =	vld [tilespmem:s26+$0x60];
	v30 =	vmul.f32 v13, v13;
	v12 =	vsub.f32 v12, v16  }
0x1b2: {  	v16 =	vsub.f32 v17, v18;
	v13 =	vld [tilespmem:s26+$0x4060];
	v17 =	vsub.f32 v19, v20;
	v18 =	vperm.xlane v22, v2  }
0x1b3: {  	v20 =	vmul.f32 v11, v11;
	v10 =	vld [tilespmem:s26+$0x8060];
	v19 =	vsub.f32 v24, v30;
	v9 =	vsub.f32 v9, v21  }
0x1b4: {  	v12 =	vmul.f32 v12, v12;
	v21 =	vld [tilespmem:s26+$0x50];
	v16 =	vadd.f32 v17, v16;
	v17 =	vadd.f32 v18, v22  }
0x1b5: {  	v18 =	vmul.f32 v14, v14;
	v11 =	vld [tilespmem:s26+$0x4050];
	v22 =	vmul.f32 v9, v9;
	v8 =	vsub.f32 v8, v23  }
0x1b6: {  	v9 =	vld [tilespmem:s26+$0x40];
	v16 =	vadd.f32 v19, v16;
	v19 =	vsub.f32 v20, v12;
	v20 =	vperm.xlane v17, v3  }
0x1b7: {  	v14 =	vld [tilespmem:s26+$0x4040];
	v18 =	vsub.f32 v18, v22;
	v22 =	vmul.f32 v27, v27;
	v27 =	vmul.f32 v8, v8  }
0x1b8: {  	v12 =	vld [tilespmem:s26+$0x30];
	v19 =	vadd.f32 v19, v16;
	v17 =	vadd.f32 v20, v17  }
0x1b9: {  	v23 =	vsub.f32 v5, v15;
	v5 =	vmovc v29;
	v16 =	vld [tilespmem:s26+$0x4030];
	v20 =	vsub.f32 v22, v27;
	v22 =	vmul.f32 v25, v25  }
0x1ba: {  	v25 =	vmul.f32 v28, v28;
	v8 =	vmovc v21;
	v15 =	vld [tilespmem:s26+$0x20];
	v24 =	vadd.f32 v18, v19;
	v17 =	vadd.f32 $5.000000000e-01, v17  }
0x1bb: {  	v26 =	vmul.f32 v26, v26;
	v23 =	vmul.f32 v23, v23;
	v19 =	vld [tilespmem:s26+$0x4020]  }
.Ltmp4:
0x1bc: {  	v22 =	vsub.f32 v22, v25;
	v18 =	vld [tilespmem:s26+$0x0];
	v24 =	vadd.f32 v20, v24;
	v17 =	vmax.f32 v17, $0.0e+00;
	(pc) =	sbr.rel @p0 .LBB2_10-.Ltmp4, $4  }
0x1bd: {  	v20 =	vld [tilespmem:s26+$0x4000];
	v4 =	vadd.f32 v17, v4  }
0x1be: {  	v21 =	vld [tilespmem:s26+$0x8000];
	v17 =	vadd.f32 v22, v24;
	v24 =	vsub.f32 v26, v23  }
0x1bf: {  	v22 =	vld [tilespmem:s26+$0x10]  }
0x1c0: {  	s28 =	sadd.s32 $0x200, s28;
	v23 =	vld [tilespmem:s26+$0x4010];
	v17 =	vadd.f32 v24, v17  }
0x1c1: {  	v24 =	vld [tilespmem:s26+$0x8010];
	_ =	sdelay $0x1  }
0x1c2: {  	v25 =	vld [tilespmem:s26+$0x8020]  }
0x1c3: {  	v26 =	vld [tilespmem:s26+$0x8030]  }
0x1c4: {  	v20 =	vsub.f32 v18, v20;
	v47 =	vsub.f32 v18, v21  }
0x1c5: {  	v50 =	vld [tilespmem:s26+$0x8040];
	v48 =	vsub.f32 v22, v23;
	v49 =	vsub.f32 v22, v24  }
0x1c6: {  	v19 =	vsub.f32 v15, v19;
	v20 =	vmul.f32 v20, v20;
	v18 =	vmul.f32 v47, v47  }
0x1c7: {  	v52 =	vld [tilespmem:s26+$0x8050];
	v51 =	vsub.f32 v15, v25;
	v21 =	vmul.f32 v48, v48;
	v22 =	vmul.f32 v49, v49  }
0x1c8: {  	v16 =	vsub.f32 v12, v16;
	v19 =	vmul.f32 v19, v19;
	v53 =	vsub.f32 v12, v26  }
0x1c9: {  	v18 =	vsub.f32 v20, v18;
	v15 =	vmul.f32 v51, v51;
	v54 =	vsub.f32 v21, v22  }
0x1ca: {  	v14 =	vsub.f32 v9, v14;
	v16 =	vmul.f32 v16, v16;
	v55 =	vsub.f32 v9, v50  }
0x1cb: {  	v56 =	vld [tilespmem:s26+$0x8070];
	v12 =	vmul.f32 v53, v53;
	v15 =	vsub.f32 v19, v15;
	v18 =	vadd.f32 v54, v18  }
0x1cc: {  	v11 =	vsub.f32 v8, v11;
	v14 =	vmul.f32 v14, v14;
	v57 =	vsub.f32 v8, v52  }
0x1cd: {  	v9 =	vmul.f32 v55, v55;
	v12 =	vsub.f32 v16, v12;
	v15 =	vadd.f32 v15, v18  }
0x1ce: {  	v13 =	vsub.f32 v7, v13;
	v58 =	vsub.f32 v7, v10;
	v59 =	vmul.f32 v11, v11  }
0x1cf: {  	v8 =	vmul.f32 v57, v57;
	v9 =	vsub.f32 v14, v9;
	v60 =	vadd.f32 v12, v15  }
0x1d0: {  	v6 =	vsub.f32 v5, v6;
	v61 =	vmul.f32 v13, v13;
	v5 =	vsub.f32 v5, v56  }
0x1d1: {  	v7 =	vmul.f32 v58, v58;
	v8 =	vsub.f32 v59, v8;
	v9 =	vadd.f32 v9, v60  }
0x1d2: {  	v6 =	vmul.f32 v6, v6  }
0x1d3: {  	v7 =	vsub.f32 v61, v7;
	v5 =	vmul.f32 v5, v5;
	v8 =	vadd.f32 v8, v9;
	_ =	sdelay $0x1  }
0x1d4: {  	v5 =	vsub.f32 v6, v5;
	v7 =	vadd.f32 v7, v8;
	_ =	sdelay $0x1  }
0x1d5: {  	v62 =	vperm.xlane v17, v0;
	v5 =	vadd.f32 v5, v7;
	_ =	sdelay $0x1  }
0x1d6: {  	v6 =	vadd.f32 v62, v17;
	v7 =	vperm.xlane v5, v0;
	_ =	sdelay $0x1  }
0x1d7: {  	v63 =	vperm.xlane v6, v1;
	v5 =	vadd.f32 v7, v5;
	_ =	sdelay $0x1  }
0x1d8: {  	v6 =	vadd.f32 v63, v6;
	v7 =	vperm.xlane v5, v1;
	_ =	sdelay $0x1  }
0x1d9: {  	v8 =	vperm.xlane v6, v2;
	v5 =	vadd.f32 v7, v5;
	_ =	sdelay $0x1  }
0x1da: {  	v6 =	vadd.f32 v8, v6;
	v7 =	vperm.xlane v5, v2;
	_ =	sdelay $0x1  }
0x1db: {  	v8 =	vperm.xlane v6, v3;
	v5 =	vadd.f32 v7, v5;
	_ =	sdelay $0x1  }
0x1dc: {  	v6 =	vadd.f32 v8, v6;
	v7 =	vperm.xlane v5, v3;
	_ =	sdelay $0x1  }
0x1dd: {  	v6 =	vadd.f32 $5.000000000e-01, v6;
	v5 =	vadd.f32 v7, v5;
	_ =	sdelay $0x1  }
0x1de: {  	v6 =	vmax.f32 v6, $0.0e+00;
	v5 =	vadd.f32 $5.000000000e-01, v5  }
0x1df: {  	v4 =	vadd.f32 v6, v4  }
0x1e0: {  	v5 =	vmax.f32 v5, $0.0e+00  }
0x1e1: {  	v4 =	vadd.f32 v5, v4;
	_ =	sdelay $0x1  }
0x1e2: {  	s25 =	sadd.s32 $0x1, s25;
	v4 =	vmul.f32 $3.814697270e-06, v4  }
0x1e3: {  	p0 =	sne.s32 s25, s19  }
.Ltmp5:
0x1e4: {  	[tilespmem:$0x18600] =	vst v4;
	(pc) =	sbr.rel @p0 .LBB2_1-.Ltmp5, $4  }
0x1e5: {  	[hbm4b:s7+s3] =	stream.linear.scatter [tilespmem:s18], [sflag:$0x3], $0x80, $0x38;
	[tilespmem:$0x18680] =	vst v63  }
0x1e6: {  	_ =	swait.ge [sflag:s20], $0x80  }
0x1e7: {  	[sflag:s20] =	ssyncset.done $0x0  }
0x1e8: {  	[sflag:s20] =	ssyncadd.s32 $0xFFFFFF80  }
0x1e9: {  	_ =	sfence.sel $0x180000  }
0x1ea: {  	[bflag:$0x0] =	sbarrier.arrive $0xFFFF  }
0x1eb: {  	_ =	strace $0x90000047  }
0x1ec: {  	s0 =	stileid.u32;
	[bflag:$0x2] =	sbarrier.arrive $0xFFFF  }
0x1ed: {  	p0 =	sne.s32 s0, $0x0;
	s0 =	rddreg [dreg:$0x2]  }
0x1ee: {  	s0 =	sadd.s32 @!p0 $0x100000, s0  }
0x1ef: {  	[sflag:s0] =	ssyncadd.tile.s32 @!p0 $0x1;
	_ =	shalt  }
.Lfunc_end2:
_tile_overlayer_lowered:
.L_overlay_start_2:
0x1f0: {  	(tag) =	ssettag $0x2  }
0x1f1: {  	s0 =	rddreg [dreg:$0x0];
	s2 =	stileid.u32  }
0x1f2: {  	s1 =	rddreg [dreg:$0x1];
	p0 =	sne.s32 s2, $0x0  }
0x1f3: {  	s3 =	rddreg [dreg:$0x2];
	[bflag:$0x3] =	sbarrier.arrive $0xFFFF;
	s2 =	simm.s32 @!p0 $0x1C03  }
0x1f4: {  	[timem:s3], [sflag:s2] =	dma.local @!p0 [hbm:s0], s1  }
0x1f5: {  	s0 =	simm.s32 @!p0 $0x3  }
0x1f6: {  	_ =	swait.ge @!p0 [sflag:s0], s1  }
0x1f7: {  	s1 =	ssub.s32 @!p0 $0x0, s1;
	[sflag:s0] =	ssyncset.done @!p0 $0x0  }
0x1f8: {  	[sflag:s0] =	ssyncadd.s32 @!p0 s1  }
0x1f9: {  	[bflag:$0x3] =	sbarrier.arrive $0xFFFF  }
0x1fa: {  	_ =	shalt  }

</sc_bundles>
